<compile_context>
chip_gen: v7x
topology: tpu7x:2x2x1
jax: 0.10.2.dev20260603
libtpu: 0.0.44.dev20260713+nightly
codegen_flags: <defaults>
</compile_context>

<pallas_src>
import functools

import jax
import jax.numpy as jnp
from jax import lax
from jax.experimental import pallas as pl
from jax.experimental.pallas import tpu as pltpu
from jax.experimental.pallas import tpu_sc as plsc

D = 128
G = 128
NB = 6


def _sc_gather(table, idx_groups):
    info = plsc.get_sparse_core_info()
    nc, ns = info.num_cores, info.num_subcores
    nw = nc * ns
    n_groups = idx_groups.shape[0]
    b = n_groups * G
    ipw = b // nw
    cpw = ipw // G
    mesh = plsc.VectorSubcoreMesh(core_axis_name="c", subcore_axis_name="s")

    @functools.partial(
        pl.kernel,
        mesh=mesh,
        out_type=jax.ShapeDtypeStruct((b, D), jnp.float32),
        scratch_types=[
            pltpu.VMEM((cpw, G), jnp.int32),
        ]
        + [pltpu.VMEM((G, D), jnp.float32) for _ in range(NB)]
        + [pltpu.SemaphoreType.DMA for _ in range(2 * NB)],
    )
    def k(table_hbm, idx_hbm, out_hbm, idx_v, *bufs_sems):
        rows = bufs_sems[:NB]
        gsem = bufs_sems[NB : 2 * NB]
        osem = bufs_sems[2 * NB :]
        wid = lax.axis_index("s") * nc + lax.axis_index("c")
        r_base = wid * ipw

        pltpu.sync_copy(idx_hbm.at[pl.ds(wid * cpw, cpw)], idx_v)

        def fire(c, p):
            pltpu.async_copy(table_hbm.at[idx_v.at[c]], rows[p], gsem[p])

        def wait_gather(p):
            pltpu.make_async_copy(
                table_hbm.at[idx_v.at[0]], rows[p], gsem[p]
            ).wait()

        def out_start(c, p):
            pltpu.async_copy(
                rows[p], out_hbm.at[pl.ds(r_base + c * G, G)], osem[p]
            )

        def wait_out(p):
            pltpu.make_async_copy(
                rows[p], out_hbm.at[pl.ds(r_base, G)], osem[p]
            ).wait()

        for p in range(NB):
            fire(p, p)
        wait_gather(0)
        out_start(0, 0)

        n_steady = cpw - NB
        n_full = n_steady // NB

        def body(t, carry):
            for q in range(NB):
                c = NB * t + 1 + q
                pb = q % NB
                cb = (q + 1) % NB
                wait_out(pb)
                fire(c + NB - 1, pb)
                wait_gather(cb)
                out_start(c, cb)
            return carry

        lax.fori_loop(0, n_full, body, 0)

        for c in range(NB * n_full + 1, n_steady + 1):
            wait_out((c - 1) % NB)
            fire(c + NB - 1, (c - 1) % NB)
            wait_gather(c % NB)
            out_start(c, c % NB)

        for c in range(cpw - NB + 1, cpw):
            wait_out((c - 1) % NB)
            wait_gather(c % NB)
            out_start(c, c % NB)
        wait_out((cpw - 1) % NB)

    return k(table, idx_groups)


def kernel(inputs, features):
    batch, n_fields = inputs.shape
    idx_t = inputs.T.reshape(-1, G)
    out = _sc_gather(features, idx_t)
    return out.reshape(n_fields, batch, D).transpose(1, 0, 2)

# --- scband reference (transcript-rebuilt; emitter-appended) ---
"""Pipeline reference for scband-feature-map-35433480192318 (READ-ONLY COPY).

The authoritative reference and input builder live on the scoring server;
editing this copy changes nothing except your own understanding.
"""

import jax, jax.numpy as jnp
import numpy as np

VOCAB = 100000
EMBED_DIM = 128
BATCH = 16384
N_FIELDS = 26


def setup_inputs(seed: int = 0) -> dict:
    key = jax.random.key(seed)
    k1, k2 = jax.random.split(key)
    inputs = jax.random.randint(k1, (BATCH, N_FIELDS), 0, VOCAB, dtype=jnp.int32)
    # learned/constant feature table (init arg `features`), adjust_magnitude=False so no scaling
    features = jax.random.normal(k2, (VOCAB, EMBED_DIM), dtype=jnp.float32)
    return {"inputs": inputs, "features": features}


def reference(inputs, features):
    idx = inputs
    if idx.shape[-1] == 1:
        idx = jnp.squeeze(idx, axis=-1)
    return jnp.take(features, idx, axis=0)

if __name__ == "__main__":
    import jax
    _d = setup_inputs()
    print(jax.jit(kernel)(*tuple(_d.values())))

</pallas_src>

<mosaic_0001>
#map = affine_map<(d0, d1) -> (0, 0)>
module attributes {stable_mosaic.version = 14 : i64} {
  func.func @k(%arg0: i32, %arg1: i32, %arg2: memref<100000x128xf32, #tpu.memory_space<hbm>>, %arg3: memref<3328x128xi32, #tpu.memory_space<hbm>>, %arg4: memref<425984x128xf32, #tpu.memory_space<hbm>>, %arg5: memref<104x128xi32, #tpu.memory_space<vmem>>, %arg6: memref<128x128xf32, #tpu.memory_space<vmem>>, %arg7: memref<128x128xf32, #tpu.memory_space<vmem>>, %arg8: memref<128x128xf32, #tpu.memory_space<vmem>>, %arg9: memref<128x128xf32, #tpu.memory_space<vmem>>, %arg10: memref<128x128xf32, #tpu.memory_space<vmem>>, %arg11: memref<128x128xf32, #tpu.memory_space<vmem>>, %arg12: memref<!tpu.dma_semaphore, #tpu.memory_space<semaphore_mem>>, %arg13: memref<!tpu.dma_semaphore, #tpu.memory_space<semaphore_mem>>, %arg14: memref<!tpu.dma_semaphore, #tpu.memory_space<semaphore_mem>>, %arg15: memref<!tpu.dma_semaphore, #tpu.memory_space<semaphore_mem>>, %arg16: memref<!tpu.dma_semaphore, #tpu.memory_space<semaphore_mem>>, %arg17: memref<!tpu.dma_semaphore, #tpu.memory_space<semaphore_mem>>, %arg18: memref<!tpu.dma_semaphore, #tpu.memory_space<semaphore_mem>>, %arg19: memref<!tpu.dma_semaphore, #tpu.memory_space<semaphore_mem>>, %arg20: memref<!tpu.dma_semaphore, #tpu.memory_space<semaphore_mem>>, %arg21: memref<!tpu.dma_semaphore, #tpu.memory_space<semaphore_mem>>, %arg22: memref<!tpu.dma_semaphore, #tpu.memory_space<semaphore_mem>>, %arg23: memref<!tpu.dma_semaphore, #tpu.memory_space<semaphore_mem>>) attributes {dimension_semantics = [#tpu.dimension_semantics<core_parallel>, #tpu.dimension_semantics<subcore_parallel>], iteration_bounds = array<i64: 2, 16>, scalar_prefetch = 0 : i64, scratch_operands = 19 : i64, tpu.core_type = #tpu.core_type<sc_vector_subcore>, window_params = [{transform_indices = #map}, {transform_indices = #map}, {transform_indices = #map}]} {
    %mul3A = arith.constant 2 : i32
    %mul3A_0 = arith.muli %arg1, %mul3A : i32
    %add3A = arith.addi %mul3A_0, %arg0 : i32
    %mul3A_1 = arith.constant 13312 : i32
    %mul3A_2 = arith.muli %add3A, %mul3A_1 : i32
    %mul3A_3 = arith.constant 104 : i32
    %mul3A_4 = arith.muli %add3A, %mul3A_3 : i32
    "tpu.region"() ({
      %run_scoped3A = tpu.sem_alloc : memref<!tpu.dma_semaphore, #tpu.memory_space<semaphore_mem>>
      %dma_start3A_200 = arith.constant 0 : i32
      %dma_start3A_201 = tpu.memref_slice %arg3[%mul3A_4, %dma_start3A_200] : memref<3328x128xi32, #tpu.memory_space<hbm>> -> memref<104x128xi32, #tpu.memory_space<hbm>>
      %dma_start3A_202 = arith.constant 0 : i32
      %dma_start3A_203 = tpu.memref_slice %arg3[%mul3A_4, %dma_start3A_202] : memref<3328x128xi32, #tpu.memory_space<hbm>> -> memref<104x128xi32, #tpu.memory_space<hbm>>
      tpu.enqueue_dma source(%dma_start3A_203 : memref<104x128xi32, #tpu.memory_space<hbm>>) target(%arg5 : memref<104x128xi32, #tpu.memory_space<vmem>>) target_semaphore(%run_scoped3A : memref<!tpu.dma_semaphore, #tpu.memory_space<semaphore_mem>>)
      %dma_wait3A_204 = arith.constant 0 : i32
      %dma_wait3A_205 = tpu.memref_slice %arg3[%mul3A_4, %dma_wait3A_204] : memref<3328x128xi32, #tpu.memory_space<hbm>> -> memref<104x128xi32, #tpu.memory_space<hbm>>
      %dma_wait3A_206 = arith.constant 0 : i32
      %dma_wait3A_207 = tpu.memref_slice %arg3[%mul3A_4, %dma_wait3A_206] : memref<3328x128xi32, #tpu.memory_space<hbm>> -> memref<104x128xi32, #tpu.memory_space<hbm>>
      tpu.wait_dma2 semaphore(%run_scoped3A : memref<!tpu.dma_semaphore, #tpu.memory_space<semaphore_mem>>) src(%dma_wait3A_207 : memref<104x128xi32, #tpu.memory_space<hbm>>) dst(%arg5 : memref<104x128xi32, #tpu.memory_space<vmem>>)
      tpu.yield
    }) : () -> ()
    %dma_start3A = arith.constant 0 : i32
    %dma_start3A_5 = arith.constant 0 : i32
    %dma_start3A_6 = tpu.memref_slice %arg5[%dma_start3A, %dma_start3A_5] : memref<104x128xi32, #tpu.memory_space<vmem>> -> memref<1x128xi32, #tpu.memory_space<vmem>>
    %dma_start3A_7 = tpu.memref_squeeze %dma_start3A_6 : memref<1x128xi32, #tpu.memory_space<vmem>> -> memref<128xi32, #tpu.memory_space<vmem>>
    %dma_start3A_8 = arith.constant 0 : i32
    %dma_start3A_9 = arith.constant 0 : i32
    %dma_start3A_10 = tpu.memref_slice %arg2[%dma_start3A_8, %dma_start3A_9] : memref<100000x128xf32, #tpu.memory_space<hbm>> -> memref<100000x128xf32, #tpu.memory_space<hbm>>
    tpu.enqueue_indirect_dma source(%dma_start3A_10 : memref<100000x128xf32, #tpu.memory_space<hbm>>) target(%arg6 : memref<128x128xf32, #tpu.memory_space<vmem>>) offsets(%dma_start3A_7 : memref<128xi32, #tpu.memory_space<vmem>>) semaphore(%arg12 : memref<!tpu.dma_semaphore, #tpu.memory_space<semaphore_mem>>)
    %dma_start3A_11 = arith.constant 1 : i32
    %dma_start3A_12 = arith.constant 0 : i32
    %dma_start3A_13 = tpu.memref_slice %arg5[%dma_start3A_11, %dma_start3A_12] : memref<104x128xi32, #tpu.memory_space<vmem>> -> memref<1x128xi32, #tpu.memory_space<vmem>>
    %dma_start3A_14 = tpu.memref_squeeze %dma_start3A_13 : memref<1x128xi32, #tpu.memory_space<vmem>> -> memref<128xi32, #tpu.memory_space<vmem>>
    %dma_start3A_15 = arith.constant 0 : i32
    %dma_start3A_16 = arith.constant 0 : i32
    %dma_start3A_17 = tpu.memref_slice %arg2[%dma_start3A_15, %dma_start3A_16] : memref<100000x128xf32, #tpu.memory_space<hbm>> -> memref<100000x128xf32, #tpu.memory_space<hbm>>
    tpu.enqueue_indirect_dma source(%dma_start3A_17 : memref<100000x128xf32, #tpu.memory_space<hbm>>) target(%arg7 : memref<128x128xf32, #tpu.memory_space<vmem>>) offsets(%dma_start3A_14 : memref<128xi32, #tpu.memory_space<vmem>>) semaphore(%arg13 : memref<!tpu.dma_semaphore, #tpu.memory_space<semaphore_mem>>)
    %dma_start3A_18 = arith.constant 2 : i32
    %dma_start3A_19 = arith.constant 0 : i32
    %dma_start3A_20 = tpu.memref_slice %arg5[%dma_start3A_18, %dma_start3A_19] : memref<104x128xi32, #tpu.memory_space<vmem>> -> memref<1x128xi32, #tpu.memory_space<vmem>>
    %dma_start3A_21 = tpu.memref_squeeze %dma_start3A_20 : memref<1x128xi32, #tpu.memory_space<vmem>> -> memref<128xi32, #tpu.memory_space<vmem>>
    %dma_start3A_22 = arith.constant 0 : i32
    %dma_start3A_23 = arith.constant 0 : i32
    %dma_start3A_24 = tpu.memref_slice %arg2[%dma_start3A_22, %dma_start3A_23] : memref<100000x128xf32, #tpu.memory_space<hbm>> -> memref<100000x128xf32, #tpu.memory_space<hbm>>
    tpu.enqueue_indirect_dma source(%dma_start3A_24 : memref<100000x128xf32, #tpu.memory_space<hbm>>) target(%arg8 : memref<128x128xf32, #tpu.memory_space<vmem>>) offsets(%dma_start3A_21 : memref<128xi32, #tpu.memory_space<vmem>>) semaphore(%arg14 : memref<!tpu.dma_semaphore, #tpu.memory_space<semaphore_mem>>)
    %dma_start3A_25 = arith.constant 3 : i32
    %dma_start3A_26 = arith.constant 0 : i32
    %dma_start3A_27 = tpu.memref_slice %arg5[%dma_start3A_25, %dma_start3A_26] : memref<104x128xi32, #tpu.memory_space<vmem>> -> memref<1x128xi32, #tpu.memory_space<vmem>>
    %dma_start3A_28 = tpu.memref_squeeze %dma_start3A_27 : memref<1x128xi32, #tpu.memory_space<vmem>> -> memref<128xi32, #tpu.memory_space<vmem>>
    %dma_start3A_29 = arith.constant 0 : i32
    %dma_start3A_30 = arith.constant 0 : i32
    %dma_start3A_31 = tpu.memref_slice %arg2[%dma_start3A_29, %dma_start3A_30] : memref<100000x128xf32, #tpu.memory_space<hbm>> -> memref<100000x128xf32, #tpu.memory_space<hbm>>
    tpu.enqueue_indirect_dma source(%dma_start3A_31 : memref<100000x128xf32, #tpu.memory_space<hbm>>) target(%arg9 : memref<128x128xf32, #tpu.memory_space<vmem>>) offsets(%dma_start3A_28 : memref<128xi32, #tpu.memory_space<vmem>>) semaphore(%arg15 : memref<!tpu.dma_semaphore, #tpu.memory_space<semaphore_mem>>)
    %dma_start3A_32 = arith.constant 4 : i32
    %dma_start3A_33 = arith.constant 0 : i32
    %dma_start3A_34 = tpu.memref_slice %arg5[%dma_start3A_32, %dma_start3A_33] : memref<104x128xi32, #tpu.memory_space<vmem>> -> memref<1x128xi32, #tpu.memory_space<vmem>>
    %dma_start3A_35 = tpu.memref_squeeze %dma_start3A_34 : memref<1x128xi32, #tpu.memory_space<vmem>> -> memref<128xi32, #tpu.memory_space<vmem>>
    %dma_start3A_36 = arith.constant 0 : i32
    %dma_start3A_37 = arith.constant 0 : i32
    %dma_start3A_38 = tpu.memref_slice %arg2[%dma_start3A_36, %dma_start3A_37] : memref<100000x128xf32, #tpu.memory_space<hbm>> -> memref<100000x128xf32, #tpu.memory_space<hbm>>
    tpu.enqueue_indirect_dma source(%dma_start3A_38 : memref<100000x128xf32, #tpu.memory_space<hbm>>) target(%arg10 : memref<128x128xf32, #tpu.memory_space<vmem>>) offsets(%dma_start3A_35 : memref<128xi32, #tpu.memory_space<vmem>>) semaphore(%arg16 : memref<!tpu.dma_semaphore, #tpu.memory_space<semaphore_mem>>)
    %dma_start3A_39 = arith.constant 5 : i32
    %dma_start3A_40 = arith.constant 0 : i32
    %dma_start3A_41 = tpu.memref_slice %arg5[%dma_start3A_39, %dma_start3A_40] : memref<104x128xi32, #tpu.memory_space<vmem>> -> memref<1x128xi32, #tpu.memory_space<vmem>>
    %dma_start3A_42 = tpu.memref_squeeze %dma_start3A_41 : memref<1x128xi32, #tpu.memory_space<vmem>> -> memref<128xi32, #tpu.memory_space<vmem>>
    %dma_start3A_43 = arith.constant 0 : i32
    %dma_start3A_44 = arith.constant 0 : i32
    %dma_start3A_45 = tpu.memref_slice %arg2[%dma_start3A_43, %dma_start3A_44] : memref<100000x128xf32, #tpu.memory_space<hbm>> -> memref<100000x128xf32, #tpu.memory_space<hbm>>
    tpu.enqueue_indirect_dma source(%dma_start3A_45 : memref<100000x128xf32, #tpu.memory_space<hbm>>) target(%arg11 : memref<128x128xf32, #tpu.memory_space<vmem>>) offsets(%dma_start3A_42 : memref<128xi32, #tpu.memory_space<vmem>>) semaphore(%arg17 : memref<!tpu.dma_semaphore, #tpu.memory_space<semaphore_mem>>)
    %dma_wait3A = arith.constant 0 : i32
    %dma_wait3A_46 = arith.constant 0 : i32
    %dma_wait3A_47 = tpu.memref_slice %arg5[%dma_wait3A, %dma_wait3A_46] : memref<104x128xi32, #tpu.memory_space<vmem>> -> memref<1x128xi32, #tpu.memory_space<vmem>>
    %dma_wait3A_48 = tpu.memref_squeeze %dma_wait3A_47 : memref<1x128xi32, #tpu.memory_space<vmem>> -> memref<128xi32, #tpu.memory_space<vmem>>
    %dma_wait3A_49 = arith.constant 0 : i32
    %dma_wait3A_50 = arith.constant 0 : i32
    %dma_wait3A_51 = tpu.memref_slice %arg2[%dma_wait3A_49, %dma_wait3A_50] : memref<100000x128xf32, #tpu.memory_space<hbm>> -> memref<100000x128xf32, #tpu.memory_space<hbm>>
    tpu.wait_indirect_dma semaphore(%arg12 : memref<!tpu.dma_semaphore, #tpu.memory_space<semaphore_mem>>) src(%dma_wait3A_51 : memref<100000x128xf32, #tpu.memory_space<hbm>>) dst(%arg6 : memref<128x128xf32, #tpu.memory_space<vmem>>)
    %add3A_52 = arith.constant 0 : i32
    %add3A_53 = arith.addi %mul3A_2, %add3A_52 : i32
    %dma_start3A_54 = arith.constant 0 : i32
    %dma_start3A_55 = tpu.memref_slice %arg4[%add3A_53, %dma_start3A_54] : memref<425984x128xf32, #tpu.memory_space<hbm>> -> memref<128x128xf32, #tpu.memory_space<hbm>>
    %dma_start3A_56 = arith.constant 0 : i32
    %dma_start3A_57 = tpu.memref_slice %arg4[%add3A_53, %dma_start3A_56] : memref<425984x128xf32, #tpu.memory_space<hbm>> -> memref<128x128xf32, #tpu.memory_space<hbm>>
    tpu.enqueue_dma source(%arg6 : memref<128x128xf32, #tpu.memory_space<vmem>>) target(%dma_start3A_57 : memref<128x128xf32, #tpu.memory_space<hbm>>) target_semaphore(%arg18 : memref<!tpu.dma_semaphore, #tpu.memory_space<semaphore_mem>>)
    %scan3A = arith.constant 0 : i32
    %scan3A_58 = arith.constant 0 : i32
    %scan3A_59 = arith.constant 16 : i32
    %scan3A_60 = arith.addi %scan3A_58, %scan3A_59 : i32
    %scan3A_61 = arith.constant 1 : i32
    scf.for %scan3A_200 = %scan3A_58 to %scan3A_60 step %scan3A_61  : i32 {
      %mul3A_201 = arith.constant 6 : i32
      %mul3A_202 = arith.muli %mul3A_201, %scan3A_200 : i32
      %add3A_203 = arith.constant 1 : i32
      %add3A_204 = arith.addi %mul3A_202, %add3A_203 : i32
      %add3A_205 = arith.constant 0 : i32
      %add3A_206 = arith.addi %add3A_204, %add3A_205 : i32
      %dma_wait3A_207 = arith.constant 0 : i32
      %dma_wait3A_208 = tpu.memref_slice %arg4[%mul3A_2, %dma_wait3A_207] : memref<425984x128xf32, #tpu.memory_space<hbm>> -> memref<128x128xf32, #tpu.memory_space<hbm>>
      %dma_wait3A_209 = arith.constant 0 : i32
      %dma_wait3A_210 = tpu.memref_slice %arg4[%mul3A_2, %dma_wait3A_209] : memref<425984x128xf32, #tpu.memory_space<hbm>> -> memref<128x128xf32, #tpu.memory_space<hbm>>
      tpu.wait_dma2 semaphore(%arg18 : memref<!tpu.dma_semaphore, #tpu.memory_space<semaphore_mem>>) src(%arg6 : memref<128x128xf32, #tpu.memory_space<vmem>>) dst(%dma_wait3A_210 : memref<128x128xf32, #tpu.memory_space<hbm>>)
      %add3A_211 = arith.constant 6 : i32
      %add3A_212 = arith.addi %add3A_206, %add3A_211 : i32
      %sub3A = arith.constant 1 : i32
      %sub3A_213 = arith.subi %add3A_212, %sub3A : i32
      %dma_start3A_214 = arith.constant 0 : i32
      %dma_start3A_215 = tpu.memref_slice %arg5[%sub3A_213, %dma_start3A_214] : memref<104x128xi32, #tpu.memory_space<vmem>> -> memref<1x128xi32, #tpu.memory_space<vmem>>
      %dma_start3A_216 = tpu.memref_squeeze %dma_start3A_215 : memref<1x128xi32, #tpu.memory_space<vmem>> -> memref<128xi32, #tpu.memory_space<vmem>>
      %dma_start3A_217 = arith.constant 0 : i32
      %dma_start3A_218 = arith.constant 0 : i32
      %dma_start3A_219 = tpu.memref_slice %arg2[%dma_start3A_217, %dma_start3A_218] : memref<100000x128xf32, #tpu.memory_space<hbm>> -> memref<100000x128xf32, #tpu.memory_space<hbm>>
      tpu.enqueue_indirect_dma source(%dma_start3A_219 : memref<100000x128xf32, #tpu.memory_space<hbm>>) target(%arg6 : memref<128x128xf32, #tpu.memory_space<vmem>>) offsets(%dma_start3A_216 : memref<128xi32, #tpu.memory_space<vmem>>) semaphore(%arg12 : memref<!tpu.dma_semaphore, #tpu.memory_space<semaphore_mem>>)
      %dma_wait3A_220 = arith.constant 0 : i32
      %dma_wait3A_221 = arith.constant 0 : i32
      %dma_wait3A_222 = tpu.memref_slice %arg5[%dma_wait3A_220, %dma_wait3A_221] : memref<104x128xi32, #tpu.memory_space<vmem>> -> memref<1x128xi32, #tpu.memory_space<vmem>>
      %dma_wait3A_223 = tpu.memref_squeeze %dma_wait3A_222 : memref<1x128xi32, #tpu.memory_space<vmem>> -> memref<128xi32, #tpu.memory_space<vmem>>
      %dma_wait3A_224 = arith.constant 0 : i32
      %dma_wait3A_225 = arith.constant 0 : i32
      %dma_wait3A_226 = tpu.memref_slice %arg2[%dma_wait3A_224, %dma_wait3A_225] : memref<100000x128xf32, #tpu.memory_space<hbm>> -> memref<100000x128xf32, #tpu.memory_space<hbm>>
      tpu.wait_indirect_dma semaphore(%arg13 : memref<!tpu.dma_semaphore, #tpu.memory_space<semaphore_mem>>) src(%dma_wait3A_226 : memref<100000x128xf32, #tpu.memory_space<hbm>>) dst(%arg7 : memref<128x128xf32, #tpu.memory_space<vmem>>)
      %mul3A_227 = arith.constant 128 : i32
      %mul3A_228 = arith.muli %add3A_206, %mul3A_227 : i32
      %add3A_229 = arith.addi %mul3A_2, %mul3A_228 : i32
      %dma_start3A_230 = arith.constant 0 : i32
      %dma_start3A_231 = tpu.memref_slice %arg4[%add3A_229, %dma_start3A_230] : memref<425984x128xf32, #tpu.memory_space<hbm>> -> memref<128x128xf32, #tpu.memory_space<hbm>>
      %dma_start3A_232 = arith.constant 0 : i32
      %dma_start3A_233 = tpu.memref_slice %arg4[%add3A_229, %dma_start3A_232] : memref<425984x128xf32, #tpu.memory_space<hbm>> -> memref<128x128xf32, #tpu.memory_space<hbm>>
      tpu.enqueue_dma source(%arg7 : memref<128x128xf32, #tpu.memory_space<vmem>>) target(%dma_start3A_233 : memref<128x128xf32, #tpu.memory_space<hbm>>) target_semaphore(%arg19 : memref<!tpu.dma_semaphore, #tpu.memory_space<semaphore_mem>>)
      %mul3A_234 = arith.constant 6 : i32
      %mul3A_235 = arith.muli %mul3A_234, %scan3A_200 : i32
      %add3A_236 = arith.constant 1 : i32
      %add3A_237 = arith.addi %mul3A_235, %add3A_236 : i32
      %add3A_238 = arith.constant 1 : i32
      %add3A_239 = arith.addi %add3A_237, %add3A_238 : i32
      %dma_wait3A_240 = arith.constant 0 : i32
      %dma_wait3A_241 = tpu.memref_slice %arg4[%mul3A_2, %dma_wait3A_240] : memref<425984x128xf32, #tpu.memory_space<hbm>> -> memref<128x128xf32, #tpu.memory_space<hbm>>
      %dma_wait3A_242 = arith.constant 0 : i32
      %dma_wait3A_243 = tpu.memref_slice %arg4[%mul3A_2, %dma_wait3A_242] : memref<425984x128xf32, #tpu.memory_space<hbm>> -> memref<128x128xf32, #tpu.memory_space<hbm>>
      tpu.wait_dma2 semaphore(%arg19 : memref<!tpu.dma_semaphore, #tpu.memory_space<semaphore_mem>>) src(%arg7 : memref<128x128xf32, #tpu.memory_space<vmem>>) dst(%dma_wait3A_243 : memref<128x128xf32, #tpu.memory_space<hbm>>)
      %add3A_244 = arith.constant 6 : i32
      %add3A_245 = arith.addi %add3A_239, %add3A_244 : i32
      %sub3A_246 = arith.constant 1 : i32
      %sub3A_247 = arith.subi %add3A_245, %sub3A_246 : i32
      %dma_start3A_248 = arith.constant 0 : i32
      %dma_start3A_249 = tpu.memref_slice %arg5[%sub3A_247, %dma_start3A_248] : memref<104x128xi32, #tpu.memory_space<vmem>> -> memref<1x128xi32, #tpu.memory_space<vmem>>
      %dma_start3A_250 = tpu.memref_squeeze %dma_start3A_249 : memref<1x128xi32, #tpu.memory_space<vmem>> -> memref<128xi32, #tpu.memory_space<vmem>>
      %dma_start3A_251 = arith.constant 0 : i32
      %dma_start3A_252 = arith.constant 0 : i32
      %dma_start3A_253 = tpu.memref_slice %arg2[%dma_start3A_251, %dma_start3A_252] : memref<100000x128xf32, #tpu.memory_space<hbm>> -> memref<100000x128xf32, #tpu.memory_space<hbm>>
      tpu.enqueue_indirect_dma source(%dma_start3A_253 : memref<100000x128xf32, #tpu.memory_space<hbm>>) target(%arg7 : memref<128x128xf32, #tpu.memory_space<vmem>>) offsets(%dma_start3A_250 : memref<128xi32, #tpu.memory_space<vmem>>) semaphore(%arg13 : memref<!tpu.dma_semaphore, #tpu.memory_space<semaphore_mem>>)
      %dma_wait3A_254 = arith.constant 0 : i32
      %dma_wait3A_255 = arith.constant 0 : i32
      %dma_wait3A_256 = tpu.memref_slice %arg5[%dma_wait3A_254, %dma_wait3A_255] : memref<104x128xi32, #tpu.memory_space<vmem>> -> memref<1x128xi32, #tpu.memory_space<vmem>>
      %dma_wait3A_257 = tpu.memref_squeeze %dma_wait3A_256 : memref<1x128xi32, #tpu.memory_space<vmem>> -> memref<128xi32, #tpu.memory_space<vmem>>
      %dma_wait3A_258 = arith.constant 0 : i32
      %dma_wait3A_259 = arith.constant 0 : i32
      %dma_wait3A_260 = tpu.memref_slice %arg2[%dma_wait3A_258, %dma_wait3A_259] : memref<100000x128xf32, #tpu.memory_space<hbm>> -> memref<100000x128xf32, #tpu.memory_space<hbm>>
      tpu.wait_indirect_dma semaphore(%arg14 : memref<!tpu.dma_semaphore, #tpu.memory_space<semaphore_mem>>) src(%dma_wait3A_260 : memref<100000x128xf32, #tpu.memory_space<hbm>>) dst(%arg8 : memref<128x128xf32, #tpu.memory_space<vmem>>)
      %mul3A_261 = arith.constant 128 : i32
      %mul3A_262 = arith.muli %add3A_239, %mul3A_261 : i32
      %add3A_263 = arith.addi %mul3A_2, %mul3A_262 : i32
      %dma_start3A_264 = arith.constant 0 : i32
      %dma_start3A_265 = tpu.memref_slice %arg4[%add3A_263, %dma_start3A_264] : memref<425984x128xf32, #tpu.memory_space<hbm>> -> memref<128x128xf32, #tpu.memory_space<hbm>>
      %dma_start3A_266 = arith.constant 0 : i32
      %dma_start3A_267 = tpu.memref_slice %arg4[%add3A_263, %dma_start3A_266] : memref<425984x128xf32, #tpu.memory_space<hbm>> -> memref<128x128xf32, #tpu.memory_space<hbm>>
      tpu.enqueue_dma source(%arg8 : memref<128x128xf32, #tpu.memory_space<vmem>>) target(%dma_start3A_267 : memref<128x128xf32, #tpu.memory_space<hbm>>) target_semaphore(%arg20 : memref<!tpu.dma_semaphore, #tpu.memory_space<semaphore_mem>>)
      %mul3A_268 = arith.constant 6 : i32
      %mul3A_269 = arith.muli %mul3A_268, %scan3A_200 : i32
      %add3A_270 = arith.constant 1 : i32
      %add3A_271 = arith.addi %mul3A_269, %add3A_270 : i32
      %add3A_272 = arith.constant 2 : i32
      %add3A_273 = arith.addi %add3A_271, %add3A_272 : i32
      %dma_wait3A_274 = arith.constant 0 : i32
      %dma_wait3A_275 = tpu.memref_slice %arg4[%mul3A_2, %dma_wait3A_274] : memref<425984x128xf32, #tpu.memory_space<hbm>> -> memref<128x128xf32, #tpu.memory_space<hbm>>
      %dma_wait3A_276 = arith.constant 0 : i32
      %dma_wait3A_277 = tpu.memref_slice %arg4[%mul3A_2, %dma_wait3A_276] : memref<425984x128xf32, #tpu.memory_space<hbm>> -> memref<128x128xf32, #tpu.memory_space<hbm>>
      tpu.wait_dma2 semaphore(%arg20 : memref<!tpu.dma_semaphore, #tpu.memory_space<semaphore_mem>>) src(%arg8 : memref<128x128xf32, #tpu.memory_space<vmem>>) dst(%dma_wait3A_277 : memref<128x128xf32, #tpu.memory_space<hbm>>)
      %add3A_278 = arith.constant 6 : i32
      %add3A_279 = arith.addi %add3A_273, %add3A_278 : i32
      %sub3A_280 = arith.constant 1 : i32
      %sub3A_281 = arith.subi %add3A_279, %sub3A_280 : i32
      %dma_start3A_282 = arith.constant 0 : i32
      %dma_start3A_283 = tpu.memref_slice %arg5[%sub3A_281, %dma_start3A_282] : memref<104x128xi32, #tpu.memory_space<vmem>> -> memref<1x128xi32, #tpu.memory_space<vmem>>
      %dma_start3A_284 = tpu.memref_squeeze %dma_start3A_283 : memref<1x128xi32, #tpu.memory_space<vmem>> -> memref<128xi32, #tpu.memory_space<vmem>>
      %dma_start3A_285 = arith.constant 0 : i32
      %dma_start3A_286 = arith.constant 0 : i32
      %dma_start3A_287 = tpu.memref_slice %arg2[%dma_start3A_285, %dma_start3A_286] : memref<100000x128xf32, #tpu.memory_space<hbm>> -> memref<100000x128xf32, #tpu.memory_space<hbm>>
      tpu.enqueue_indirect_dma source(%dma_start3A_287 : memref<100000x128xf32, #tpu.memory_space<hbm>>) target(%arg8 : memref<128x128xf32, #tpu.memory_space<vmem>>) offsets(%dma_start3A_284 : memref<128xi32, #tpu.memory_space<vmem>>) semaphore(%arg14 : memref<!tpu.dma_semaphore, #tpu.memory_space<semaphore_mem>>)
      %dma_wait3A_288 = arith.constant 0 : i32
      %dma_wait3A_289 = arith.constant 0 : i32
      %dma_wait3A_290 = tpu.memref_slice %arg5[%dma_wait3A_288, %dma_wait3A_289] : memref<104x128xi32, #tpu.memory_space<vmem>> -> memref<1x128xi32, #tpu.memory_space<vmem>>
      %dma_wait3A_291 = tpu.memref_squeeze %dma_wait3A_290 : memref<1x128xi32, #tpu.memory_space<vmem>> -> memref<128xi32, #tpu.memory_space<vmem>>
      %dma_wait3A_292 = arith.constant 0 : i32
      %dma_wait3A_293 = arith.constant 0 : i32
      %dma_wait3A_294 = tpu.memref_slice %arg2[%dma_wait3A_292, %dma_wait3A_293] : memref<100000x128xf32, #tpu.memory_space<hbm>> -> memref<100000x128xf32, #tpu.memory_space<hbm>>
      tpu.wait_indirect_dma semaphore(%arg15 : memref<!tpu.dma_semaphore, #tpu.memory_space<semaphore_mem>>) src(%dma_wait3A_294 : memref<100000x128xf32, #tpu.memory_space<hbm>>) dst(%arg9 : memref<128x128xf32, #tpu.memory_space<vmem>>)
      %mul3A_295 = arith.constant 128 : i32
      %mul3A_296 = arith.muli %add3A_273, %mul3A_295 : i32
      %add3A_297 = arith.addi %mul3A_2, %mul3A_296 : i32
      %dma_start3A_298 = arith.constant 0 : i32
      %dma_start3A_299 = tpu.memref_slice %arg4[%add3A_297, %dma_start3A_298] : memref<425984x128xf32, #tpu.memory_space<hbm>> -> memref<128x128xf32, #tpu.memory_space<hbm>>
      %dma_start3A_300 = arith.constant 0 : i32
      %dma_start3A_301 = tpu.memref_slice %arg4[%add3A_297, %dma_start3A_300] : memref<425984x128xf32, #tpu.memory_space<hbm>> -> memref<128x128xf32, #tpu.memory_space<hbm>>
      tpu.enqueue_dma source(%arg9 : memref<128x128xf32, #tpu.memory_space<vmem>>) target(%dma_start3A_301 : memref<128x128xf32, #tpu.memory_space<hbm>>) target_semaphore(%arg21 : memref<!tpu.dma_semaphore, #tpu.memory_space<semaphore_mem>>)
      %mul3A_302 = arith.constant 6 : i32
      %mul3A_303 = arith.muli %mul3A_302, %scan3A_200 : i32
      %add3A_304 = arith.constant 1 : i32
      %add3A_305 = arith.addi %mul3A_303, %add3A_304 : i32
      %add3A_306 = arith.constant 3 : i32
      %add3A_307 = arith.addi %add3A_305, %add3A_306 : i32
      %dma_wait3A_308 = arith.constant 0 : i32
      %dma_wait3A_309 = tpu.memref_slice %arg4[%mul3A_2, %dma_wait3A_308] : memref<425984x128xf32, #tpu.memory_space<hbm>> -> memref<128x128xf32, #tpu.memory_space<hbm>>
      %dma_wait3A_310 = arith.constant 0 : i32
      %dma_wait3A_311 = tpu.memref_slice %arg4[%mul3A_2, %dma_wait3A_310] : memref<425984x128xf32, #tpu.memory_space<hbm>> -> memref<128x128xf32, #tpu.memory_space<hbm>>
      tpu.wait_dma2 semaphore(%arg21 : memref<!tpu.dma_semaphore, #tpu.memory_space<semaphore_mem>>) src(%arg9 : memref<128x128xf32, #tpu.memory_space<vmem>>) dst(%dma_wait3A_311 : memref<128x128xf32, #tpu.memory_space<hbm>>)
      %add3A_312 = arith.constant 6 : i32
      %add3A_313 = arith.addi %add3A_307, %add3A_312 : i32
      %sub3A_314 = arith.constant 1 : i32
      %sub3A_315 = arith.subi %add3A_313, %sub3A_314 : i32
      %dma_start3A_316 = arith.constant 0 : i32
      %dma_start3A_317 = tpu.memref_slice %arg5[%sub3A_315, %dma_start3A_316] : memref<104x128xi32, #tpu.memory_space<vmem>> -> memref<1x128xi32, #tpu.memory_space<vmem>>
      %dma_start3A_318 = tpu.memref_squeeze %dma_start3A_317 : memref<1x128xi32, #tpu.memory_space<vmem>> -> memref<128xi32, #tpu.memory_space<vmem>>
      %dma_start3A_319 = arith.constant 0 : i32
      %dma_start3A_320 = arith.constant 0 : i32
      %dma_start3A_321 = tpu.memref_slice %arg2[%dma_start3A_319, %dma_start3A_320] : memref<100000x128xf32, #tpu.memory_space<hbm>> -> memref<100000x128xf32, #tpu.memory_space<hbm>>
      tpu.enqueue_indirect_dma source(%dma_start3A_321 : memref<100000x128xf32, #tpu.memory_space<hbm>>) target(%arg9 : memref<128x128xf32, #tpu.memory_space<vmem>>) offsets(%dma_start3A_318 : memref<128xi32, #tpu.memory_space<vmem>>) semaphore(%arg15 : memref<!tpu.dma_semaphore, #tpu.memory_space<semaphore_mem>>)
      %dma_wait3A_322 = arith.constant 0 : i32
      %dma_wait3A_323 = arith.constant 0 : i32
      %dma_wait3A_324 = tpu.memref_slice %arg5[%dma_wait3A_322, %dma_wait3A_323] : memref<104x128xi32, #tpu.memory_space<vmem>> -> memref<1x128xi32, #tpu.memory_space<vmem>>
      %dma_wait3A_325 = tpu.memref_squeeze %dma_wait3A_324 : memref<1x128xi32, #tpu.memory_space<vmem>> -> memref<128xi32, #tpu.memory_space<vmem>>
      %dma_wait3A_326 = arith.constant 0 : i32
      %dma_wait3A_327 = arith.constant 0 : i32
      %dma_wait3A_328 = tpu.memref_slice %arg2[%dma_wait3A_326, %dma_wait3A_327] : memref<100000x128xf32, #tpu.memory_space<hbm>> -> memref<100000x128xf32, #tpu.memory_space<hbm>>
      tpu.wait_indirect_dma semaphore(%arg16 : memref<!tpu.dma_semaphore, #tpu.memory_space<semaphore_mem>>) src(%dma_wait3A_328 : memref<100000x128xf32, #tpu.memory_space<hbm>>) dst(%arg10 : memref<128x128xf32, #tpu.memory_space<vmem>>)
      %mul3A_329 = arith.constant 128 : i32
      %mul3A_330 = arith.muli %add3A_307, %mul3A_329 : i32
      %add3A_331 = arith.addi %mul3A_2, %mul3A_330 : i32
      %dma_start3A_332 = arith.constant 0 : i32
      %dma_start3A_333 = tpu.memref_slice %arg4[%add3A_331, %dma_start3A_332] : memref<425984x128xf32, #tpu.memory_space<hbm>> -> memref<128x128xf32, #tpu.memory_space<hbm>>
      %dma_start3A_334 = arith.constant 0 : i32
      %dma_start3A_335 = tpu.memref_slice %arg4[%add3A_331, %dma_start3A_334] : memref<425984x128xf32, #tpu.memory_space<hbm>> -> memref<128x128xf32, #tpu.memory_space<hbm>>
      tpu.enqueue_dma source(%arg10 : memref<128x128xf32, #tpu.memory_space<vmem>>) target(%dma_start3A_335 : memref<128x128xf32, #tpu.memory_space<hbm>>) target_semaphore(%arg22 : memref<!tpu.dma_semaphore, #tpu.memory_space<semaphore_mem>>)
      %mul3A_336 = arith.constant 6 : i32
      %mul3A_337 = arith.muli %mul3A_336, %scan3A_200 : i32
      %add3A_338 = arith.constant 1 : i32
      %add3A_339 = arith.addi %mul3A_337, %add3A_338 : i32
      %add3A_340 = arith.constant 4 : i32
      %add3A_341 = arith.addi %add3A_339, %add3A_340 : i32
      %dma_wait3A_342 = arith.constant 0 : i32
      %dma_wait3A_343 = tpu.memref_slice %arg4[%mul3A_2, %dma_wait3A_342] : memref<425984x128xf32, #tpu.memory_space<hbm>> -> memref<128x128xf32, #tpu.memory_space<hbm>>
      %dma_wait3A_344 = arith.constant 0 : i32
      %dma_wait3A_345 = tpu.memref_slice %arg4[%mul3A_2, %dma_wait3A_344] : memref<425984x128xf32, #tpu.memory_space<hbm>> -> memref<128x128xf32, #tpu.memory_space<hbm>>
      tpu.wait_dma2 semaphore(%arg22 : memref<!tpu.dma_semaphore, #tpu.memory_space<semaphore_mem>>) src(%arg10 : memref<128x128xf32, #tpu.memory_space<vmem>>) dst(%dma_wait3A_345 : memref<128x128xf32, #tpu.memory_space<hbm>>)
      %add3A_346 = arith.constant 6 : i32
      %add3A_347 = arith.addi %add3A_341, %add3A_346 : i32
      %sub3A_348 = arith.constant 1 : i32
      %sub3A_349 = arith.subi %add3A_347, %sub3A_348 : i32
      %dma_start3A_350 = arith.constant 0 : i32
      %dma_start3A_351 = tpu.memref_slice %arg5[%sub3A_349, %dma_start3A_350] : memref<104x128xi32, #tpu.memory_space<vmem>> -> memref<1x128xi32, #tpu.memory_space<vmem>>
      %dma_start3A_352 = tpu.memref_squeeze %dma_start3A_351 : memref<1x128xi32, #tpu.memory_space<vmem>> -> memref<128xi32, #tpu.memory_space<vmem>>
      %dma_start3A_353 = arith.constant 0 : i32
      %dma_start3A_354 = arith.constant 0 : i32
      %dma_start3A_355 = tpu.memref_slice %arg2[%dma_start3A_353, %dma_start3A_354] : memref<100000x128xf32, #tpu.memory_space<hbm>> -> memref<100000x128xf32, #tpu.memory_space<hbm>>
      tpu.enqueue_indirect_dma source(%dma_start3A_355 : memref<100000x128xf32, #tpu.memory_space<hbm>>) target(%arg10 : memref<128x128xf32, #tpu.memory_space<vmem>>) offsets(%dma_start3A_352 : memref<128xi32, #tpu.memory_space<vmem>>) semaphore(%arg16 : memref<!tpu.dma_semaphore, #tpu.memory_space<semaphore_mem>>)
      %dma_wait3A_356 = arith.constant 0 : i32
      %dma_wait3A_357 = arith.constant 0 : i32
      %dma_wait3A_358 = tpu.memref_slice %arg5[%dma_wait3A_356, %dma_wait3A_357] : memref<104x128xi32, #tpu.memory_space<vmem>> -> memref<1x128xi32, #tpu.memory_space<vmem>>
      %dma_wait3A_359 = tpu.memref_squeeze %dma_wait3A_358 : memref<1x128xi32, #tpu.memory_space<vmem>> -> memref<128xi32, #tpu.memory_space<vmem>>
      %dma_wait3A_360 = arith.constant 0 : i32
      %dma_wait3A_361 = arith.constant 0 : i32
      %dma_wait3A_362 = tpu.memref_slice %arg2[%dma_wait3A_360, %dma_wait3A_361] : memref<100000x128xf32, #tpu.memory_space<hbm>> -> memref<100000x128xf32, #tpu.memory_space<hbm>>
      tpu.wait_indirect_dma semaphore(%arg17 : memref<!tpu.dma_semaphore, #tpu.memory_space<semaphore_mem>>) src(%dma_wait3A_362 : memref<100000x128xf32, #tpu.memory_space<hbm>>) dst(%arg11 : memref<128x128xf32, #tpu.memory_space<vmem>>)
      %mul3A_363 = arith.constant 128 : i32
      %mul3A_364 = arith.muli %add3A_341, %mul3A_363 : i32
      %add3A_365 = arith.addi %mul3A_2, %mul3A_364 : i32
      %dma_start3A_366 = arith.constant 0 : i32
      %dma_start3A_367 = tpu.memref_slice %arg4[%add3A_365, %dma_start3A_366] : memref<425984x128xf32, #tpu.memory_space<hbm>> -> memref<128x128xf32, #tpu.memory_space<hbm>>
      %dma_start3A_368 = arith.constant 0 : i32
      %dma_start3A_369 = tpu.memref_slice %arg4[%add3A_365, %dma_start3A_368] : memref<425984x128xf32, #tpu.memory_space<hbm>> -> memref<128x128xf32, #tpu.memory_space<hbm>>
      tpu.enqueue_dma source(%arg11 : memref<128x128xf32, #tpu.memory_space<vmem>>) target(%dma_start3A_369 : memref<128x128xf32, #tpu.memory_space<hbm>>) target_semaphore(%arg23 : memref<!tpu.dma_semaphore, #tpu.memory_space<semaphore_mem>>)
      %mul3A_370 = arith.constant 6 : i32
      %mul3A_371 = arith.muli %mul3A_370, %scan3A_200 : i32
      %add3A_372 = arith.constant 1 : i32
      %add3A_373 = arith.addi %mul3A_371, %add3A_372 : i32
      %add3A_374 = arith.constant 5 : i32
      %add3A_375 = arith.addi %add3A_373, %add3A_374 : i32
      %dma_wait3A_376 = arith.constant 0 : i32
      %dma_wait3A_377 = tpu.memref_slice %arg4[%mul3A_2, %dma_wait3A_376] : memref<425984x128xf32, #tpu.memory_space<hbm>> -> memref<128x128xf32, #tpu.memory_space<hbm>>
      %dma_wait3A_378 = arith.constant 0 : i32
      %dma_wait3A_379 = tpu.memref_slice %arg4[%mul3A_2, %dma_wait3A_378] : memref<425984x128xf32, #tpu.memory_space<hbm>> -> memref<128x128xf32, #tpu.memory_space<hbm>>
      tpu.wait_dma2 semaphore(%arg23 : memref<!tpu.dma_semaphore, #tpu.memory_space<semaphore_mem>>) src(%arg11 : memref<128x128xf32, #tpu.memory_space<vmem>>) dst(%dma_wait3A_379 : memref<128x128xf32, #tpu.memory_space<hbm>>)
      %add3A_380 = arith.constant 6 : i32
      %add3A_381 = arith.addi %add3A_375, %add3A_380 : i32
      %sub3A_382 = arith.constant 1 : i32
      %sub3A_383 = arith.subi %add3A_381, %sub3A_382 : i32
      %dma_start3A_384 = arith.constant 0 : i32
      %dma_start3A_385 = tpu.memref_slice %arg5[%sub3A_383, %dma_start3A_384] : memref<104x128xi32, #tpu.memory_space<vmem>> -> memref<1x128xi32, #tpu.memory_space<vmem>>
      %dma_start3A_386 = tpu.memref_squeeze %dma_start3A_385 : memref<1x128xi32, #tpu.memory_space<vmem>> -> memref<128xi32, #tpu.memory_space<vmem>>
      %dma_start3A_387 = arith.constant 0 : i32
      %dma_start3A_388 = arith.constant 0 : i32
      %dma_start3A_389 = tpu.memref_slice %arg2[%dma_start3A_387, %dma_start3A_388] : memref<100000x128xf32, #tpu.memory_space<hbm>> -> memref<100000x128xf32, #tpu.memory_space<hbm>>
      tpu.enqueue_indirect_dma source(%dma_start3A_389 : memref<100000x128xf32, #tpu.memory_space<hbm>>) target(%arg11 : memref<128x128xf32, #tpu.memory_space<vmem>>) offsets(%dma_start3A_386 : memref<128xi32, #tpu.memory_space<vmem>>) semaphore(%arg17 : memref<!tpu.dma_semaphore, #tpu.memory_space<semaphore_mem>>)
      %dma_wait3A_390 = arith.constant 0 : i32
      %dma_wait3A_391 = arith.constant 0 : i32
      %dma_wait3A_392 = tpu.memref_slice %arg5[%dma_wait3A_390, %dma_wait3A_391] : memref<104x128xi32, #tpu.memory_space<vmem>> -> memref<1x128xi32, #tpu.memory_space<vmem>>
      %dma_wait3A_393 = tpu.memref_squeeze %dma_wait3A_392 : memref<1x128xi32, #tpu.memory_space<vmem>> -> memref<128xi32, #tpu.memory_space<vmem>>
      %dma_wait3A_394 = arith.constant 0 : i32
      %dma_wait3A_395 = arith.constant 0 : i32
      %dma_wait3A_396 = tpu.memref_slice %arg2[%dma_wait3A_394, %dma_wait3A_395] : memref<100000x128xf32, #tpu.memory_space<hbm>> -> memref<100000x128xf32, #tpu.memory_space<hbm>>
      tpu.wait_indirect_dma semaphore(%arg12 : memref<!tpu.dma_semaphore, #tpu.memory_space<semaphore_mem>>) src(%dma_wait3A_396 : memref<100000x128xf32, #tpu.memory_space<hbm>>) dst(%arg6 : memref<128x128xf32, #tpu.memory_space<vmem>>)
      %mul3A_397 = arith.constant 128 : i32
      %mul3A_398 = arith.muli %add3A_375, %mul3A_397 : i32
      %add3A_399 = arith.addi %mul3A_2, %mul3A_398 : i32
      %dma_start3A_400 = arith.constant 0 : i32
      %dma_start3A_401 = tpu.memref_slice %arg4[%add3A_399, %dma_start3A_400] : memref<425984x128xf32, #tpu.memory_space<hbm>> -> memref<128x128xf32, #tpu.memory_space<hbm>>
      %dma_start3A_402 = arith.constant 0 : i32
      %dma_start3A_403 = tpu.memref_slice %arg4[%add3A_399, %dma_start3A_402] : memref<425984x128xf32, #tpu.memory_space<hbm>> -> memref<128x128xf32, #tpu.memory_space<hbm>>
      tpu.enqueue_dma source(%arg6 : memref<128x128xf32, #tpu.memory_space<vmem>>) target(%dma_start3A_403 : memref<128x128xf32, #tpu.memory_space<hbm>>) target_semaphore(%arg18 : memref<!tpu.dma_semaphore, #tpu.memory_space<semaphore_mem>>)
    }
    %scan3A_62 = arith.constant 16 : i32
    %dma_wait3A_63 = arith.constant 0 : i32
    %dma_wait3A_64 = tpu.memref_slice %arg4[%mul3A_2, %dma_wait3A_63] : memref<425984x128xf32, #tpu.memory_space<hbm>> -> memref<128x128xf32, #tpu.memory_space<hbm>>
    %dma_wait3A_65 = arith.constant 0 : i32
    %dma_wait3A_66 = tpu.memref_slice %arg4[%mul3A_2, %dma_wait3A_65] : memref<425984x128xf32, #tpu.memory_space<hbm>> -> memref<128x128xf32, #tpu.memory_space<hbm>>
    tpu.wait_dma2 semaphore(%arg18 : memref<!tpu.dma_semaphore, #tpu.memory_space<semaphore_mem>>) src(%arg6 : memref<128x128xf32, #tpu.memory_space<vmem>>) dst(%dma_wait3A_66 : memref<128x128xf32, #tpu.memory_space<hbm>>)
    %dma_start3A_67 = arith.constant 102 : i32
    %dma_start3A_68 = arith.constant 0 : i32
    %dma_start3A_69 = tpu.memref_slice %arg5[%dma_start3A_67, %dma_start3A_68] : memref<104x128xi32, #tpu.memory_space<vmem>> -> memref<1x128xi32, #tpu.memory_space<vmem>>
    %dma_start3A_70 = tpu.memref_squeeze %dma_start3A_69 : memref<1x128xi32, #tpu.memory_space<vmem>> -> memref<128xi32, #tpu.memory_space<vmem>>
    %dma_start3A_71 = arith.constant 0 : i32
    %dma_start3A_72 = arith.constant 0 : i32
    %dma_start3A_73 = tpu.memref_slice %arg2[%dma_start3A_71, %dma_start3A_72] : memref<100000x128xf32, #tpu.memory_space<hbm>> -> memref<100000x128xf32, #tpu.memory_space<hbm>>
    tpu.enqueue_indirect_dma source(%dma_start3A_73 : memref<100000x128xf32, #tpu.memory_space<hbm>>) target(%arg6 : memref<128x128xf32, #tpu.memory_space<vmem>>) offsets(%dma_start3A_70 : memref<128xi32, #tpu.memory_space<vmem>>) semaphore(%arg12 : memref<!tpu.dma_semaphore, #tpu.memory_space<semaphore_mem>>)
    %dma_wait3A_74 = arith.constant 0 : i32
    %dma_wait3A_75 = arith.constant 0 : i32
    %dma_wait3A_76 = tpu.memref_slice %arg5[%dma_wait3A_74, %dma_wait3A_75] : memref<104x128xi32, #tpu.memory_space<vmem>> -> memref<1x128xi32, #tpu.memory_space<vmem>>
    %dma_wait3A_77 = tpu.memref_squeeze %dma_wait3A_76 : memref<1x128xi32, #tpu.memory_space<vmem>> -> memref<128xi32, #tpu.memory_space<vmem>>
    %dma_wait3A_78 = arith.constant 0 : i32
    %dma_wait3A_79 = arith.constant 0 : i32
    %dma_wait3A_80 = tpu.memref_slice %arg2[%dma_wait3A_78, %dma_wait3A_79] : memref<100000x128xf32, #tpu.memory_space<hbm>> -> memref<100000x128xf32, #tpu.memory_space<hbm>>
    tpu.wait_indirect_dma semaphore(%arg13 : memref<!tpu.dma_semaphore, #tpu.memory_space<semaphore_mem>>) src(%dma_wait3A_80 : memref<100000x128xf32, #tpu.memory_space<hbm>>) dst(%arg7 : memref<128x128xf32, #tpu.memory_space<vmem>>)
    %add3A_81 = arith.constant 12416 : i32
    %add3A_82 = arith.addi %mul3A_2, %add3A_81 : i32
    %dma_start3A_83 = arith.constant 0 : i32
    %dma_start3A_84 = tpu.memref_slice %arg4[%add3A_82, %dma_start3A_83] : memref<425984x128xf32, #tpu.memory_space<hbm>> -> memref<128x128xf32, #tpu.memory_space<hbm>>
    %dma_start3A_85 = arith.constant 0 : i32
    %dma_start3A_86 = tpu.memref_slice %arg4[%add3A_82, %dma_start3A_85] : memref<425984x128xf32, #tpu.memory_space<hbm>> -> memref<128x128xf32, #tpu.memory_space<hbm>>
    tpu.enqueue_dma source(%arg7 : memref<128x128xf32, #tpu.memory_space<vmem>>) target(%dma_start3A_86 : memref<128x128xf32, #tpu.memory_space<hbm>>) target_semaphore(%arg19 : memref<!tpu.dma_semaphore, #tpu.memory_space<semaphore_mem>>)
    %dma_wait3A_87 = arith.constant 0 : i32
    %dma_wait3A_88 = tpu.memref_slice %arg4[%mul3A_2, %dma_wait3A_87] : memref<425984x128xf32, #tpu.memory_space<hbm>> -> memref<128x128xf32, #tpu.memory_space<hbm>>
    %dma_wait3A_89 = arith.constant 0 : i32
    %dma_wait3A_90 = tpu.memref_slice %arg4[%mul3A_2, %dma_wait3A_89] : memref<425984x128xf32, #tpu.memory_space<hbm>> -> memref<128x128xf32, #tpu.memory_space<hbm>>
    tpu.wait_dma2 semaphore(%arg19 : memref<!tpu.dma_semaphore, #tpu.memory_space<semaphore_mem>>) src(%arg7 : memref<128x128xf32, #tpu.memory_space<vmem>>) dst(%dma_wait3A_90 : memref<128x128xf32, #tpu.memory_space<hbm>>)
    %dma_start3A_91 = arith.constant 103 : i32
    %dma_start3A_92 = arith.constant 0 : i32
    %dma_start3A_93 = tpu.memref_slice %arg5[%dma_start3A_91, %dma_start3A_92] : memref<104x128xi32, #tpu.memory_space<vmem>> -> memref<1x128xi32, #tpu.memory_space<vmem>>
    %dma_start3A_94 = tpu.memref_squeeze %dma_start3A_93 : memref<1x128xi32, #tpu.memory_space<vmem>> -> memref<128xi32, #tpu.memory_space<vmem>>
    %dma_start3A_95 = arith.constant 0 : i32
    %dma_start3A_96 = arith.constant 0 : i32
    %dma_start3A_97 = tpu.memref_slice %arg2[%dma_start3A_95, %dma_start3A_96] : memref<100000x128xf32, #tpu.memory_space<hbm>> -> memref<100000x128xf32, #tpu.memory_space<hbm>>
    tpu.enqueue_indirect_dma source(%dma_start3A_97 : memref<100000x128xf32, #tpu.memory_space<hbm>>) target(%arg7 : memref<128x128xf32, #tpu.memory_space<vmem>>) offsets(%dma_start3A_94 : memref<128xi32, #tpu.memory_space<vmem>>) semaphore(%arg13 : memref<!tpu.dma_semaphore, #tpu.memory_space<semaphore_mem>>)
    %dma_wait3A_98 = arith.constant 0 : i32
    %dma_wait3A_99 = arith.constant 0 : i32
    %dma_wait3A_100 = tpu.memref_slice %arg5[%dma_wait3A_98, %dma_wait3A_99] : memref<104x128xi32, #tpu.memory_space<vmem>> -> memref<1x128xi32, #tpu.memory_space<vmem>>
    %dma_wait3A_101 = tpu.memref_squeeze %dma_wait3A_100 : memref<1x128xi32, #tpu.memory_space<vmem>> -> memref<128xi32, #tpu.memory_space<vmem>>
    %dma_wait3A_102 = arith.constant 0 : i32
    %dma_wait3A_103 = arith.constant 0 : i32
    %dma_wait3A_104 = tpu.memref_slice %arg2[%dma_wait3A_102, %dma_wait3A_103] : memref<100000x128xf32, #tpu.memory_space<hbm>> -> memref<100000x128xf32, #tpu.memory_space<hbm>>
    tpu.wait_indirect_dma semaphore(%arg14 : memref<!tpu.dma_semaphore, #tpu.memory_space<semaphore_mem>>) src(%dma_wait3A_104 : memref<100000x128xf32, #tpu.memory_space<hbm>>) dst(%arg8 : memref<128x128xf32, #tpu.memory_space<vmem>>)
    %add3A_105 = arith.constant 12544 : i32
    %add3A_106 = arith.addi %mul3A_2, %add3A_105 : i32
    %dma_start3A_107 = arith.constant 0 : i32
    %dma_start3A_108 = tpu.memref_slice %arg4[%add3A_106, %dma_start3A_107] : memref<425984x128xf32, #tpu.memory_space<hbm>> -> memref<128x128xf32, #tpu.memory_space<hbm>>
    %dma_start3A_109 = arith.constant 0 : i32
    %dma_start3A_110 = tpu.memref_slice %arg4[%add3A_106, %dma_start3A_109] : memref<425984x128xf32, #tpu.memory_space<hbm>> -> memref<128x128xf32, #tpu.memory_space<hbm>>
    tpu.enqueue_dma source(%arg8 : memref<128x128xf32, #tpu.memory_space<vmem>>) target(%dma_start3A_110 : memref<128x128xf32, #tpu.memory_space<hbm>>) target_semaphore(%arg20 : memref<!tpu.dma_semaphore, #tpu.memory_space<semaphore_mem>>)
    %dma_wait3A_111 = arith.constant 0 : i32
    %dma_wait3A_112 = tpu.memref_slice %arg4[%mul3A_2, %dma_wait3A_111] : memref<425984x128xf32, #tpu.memory_space<hbm>> -> memref<128x128xf32, #tpu.memory_space<hbm>>
    %dma_wait3A_113 = arith.constant 0 : i32
    %dma_wait3A_114 = tpu.memref_slice %arg4[%mul3A_2, %dma_wait3A_113] : memref<425984x128xf32, #tpu.memory_space<hbm>> -> memref<128x128xf32, #tpu.memory_space<hbm>>
    tpu.wait_dma2 semaphore(%arg20 : memref<!tpu.dma_semaphore, #tpu.memory_space<semaphore_mem>>) src(%arg8 : memref<128x128xf32, #tpu.memory_space<vmem>>) dst(%dma_wait3A_114 : memref<128x128xf32, #tpu.memory_space<hbm>>)
    %dma_wait3A_115 = arith.constant 0 : i32
    %dma_wait3A_116 = arith.constant 0 : i32
    %dma_wait3A_117 = tpu.memref_slice %arg5[%dma_wait3A_115, %dma_wait3A_116] : memref<104x128xi32, #tpu.memory_space<vmem>> -> memref<1x128xi32, #tpu.memory_space<vmem>>
    %dma_wait3A_118 = tpu.memref_squeeze %dma_wait3A_117 : memref<1x128xi32, #tpu.memory_space<vmem>> -> memref<128xi32, #tpu.memory_space<vmem>>
    %dma_wait3A_119 = arith.constant 0 : i32
    %dma_wait3A_120 = arith.constant 0 : i32
    %dma_wait3A_121 = tpu.memref_slice %arg2[%dma_wait3A_119, %dma_wait3A_120] : memref<100000x128xf32, #tpu.memory_space<hbm>> -> memref<100000x128xf32, #tpu.memory_space<hbm>>
    tpu.wait_indirect_dma semaphore(%arg15 : memref<!tpu.dma_semaphore, #tpu.memory_space<semaphore_mem>>) src(%dma_wait3A_121 : memref<100000x128xf32, #tpu.memory_space<hbm>>) dst(%arg9 : memref<128x128xf32, #tpu.memory_space<vmem>>)
    %add3A_122 = arith.constant 12672 : i32
    %add3A_123 = arith.addi %mul3A_2, %add3A_122 : i32
    %dma_start3A_124 = arith.constant 0 : i32
    %dma_start3A_125 = tpu.memref_slice %arg4[%add3A_123, %dma_start3A_124] : memref<425984x128xf32, #tpu.memory_space<hbm>> -> memref<128x128xf32, #tpu.memory_space<hbm>>
    %dma_start3A_126 = arith.constant 0 : i32
    %dma_start3A_127 = tpu.memref_slice %arg4[%add3A_123, %dma_start3A_126] : memref<425984x128xf32, #tpu.memory_space<hbm>> -> memref<128x128xf32, #tpu.memory_space<hbm>>
    tpu.enqueue_dma source(%arg9 : memref<128x128xf32, #tpu.memory_space<vmem>>) target(%dma_start3A_127 : memref<128x128xf32, #tpu.memory_space<hbm>>) target_semaphore(%arg21 : memref<!tpu.dma_semaphore, #tpu.memory_space<semaphore_mem>>)
    %dma_wait3A_128 = arith.constant 0 : i32
    %dma_wait3A_129 = tpu.memref_slice %arg4[%mul3A_2, %dma_wait3A_128] : memref<425984x128xf32, #tpu.memory_space<hbm>> -> memref<128x128xf32, #tpu.memory_space<hbm>>
    %dma_wait3A_130 = arith.constant 0 : i32
    %dma_wait3A_131 = tpu.memref_slice %arg4[%mul3A_2, %dma_wait3A_130] : memref<425984x128xf32, #tpu.memory_space<hbm>> -> memref<128x128xf32, #tpu.memory_space<hbm>>
    tpu.wait_dma2 semaphore(%arg21 : memref<!tpu.dma_semaphore, #tpu.memory_space<semaphore_mem>>) src(%arg9 : memref<128x128xf32, #tpu.memory_space<vmem>>) dst(%dma_wait3A_131 : memref<128x128xf32, #tpu.memory_space<hbm>>)
    %dma_wait3A_132 = arith.constant 0 : i32
    %dma_wait3A_133 = arith.constant 0 : i32
    %dma_wait3A_134 = tpu.memref_slice %arg5[%dma_wait3A_132, %dma_wait3A_133] : memref<104x128xi32, #tpu.memory_space<vmem>> -> memref<1x128xi32, #tpu.memory_space<vmem>>
    %dma_wait3A_135 = tpu.memref_squeeze %dma_wait3A_134 : memref<1x128xi32, #tpu.memory_space<vmem>> -> memref<128xi32, #tpu.memory_space<vmem>>
    %dma_wait3A_136 = arith.constant 0 : i32
    %dma_wait3A_137 = arith.constant 0 : i32
    %dma_wait3A_138 = tpu.memref_slice %arg2[%dma_wait3A_136, %dma_wait3A_137] : memref<100000x128xf32, #tpu.memory_space<hbm>> -> memref<100000x128xf32, #tpu.memory_space<hbm>>
    tpu.wait_indirect_dma semaphore(%arg16 : memref<!tpu.dma_semaphore, #tpu.memory_space<semaphore_mem>>) src(%dma_wait3A_138 : memref<100000x128xf32, #tpu.memory_space<hbm>>) dst(%arg10 : memref<128x128xf32, #tpu.memory_space<vmem>>)
    %add3A_139 = arith.constant 12800 : i32
    %add3A_140 = arith.addi %mul3A_2, %add3A_139 : i32
    %dma_start3A_141 = arith.constant 0 : i32
    %dma_start3A_142 = tpu.memref_slice %arg4[%add3A_140, %dma_start3A_141] : memref<425984x128xf32, #tpu.memory_space<hbm>> -> memref<128x128xf32, #tpu.memory_space<hbm>>
    %dma_start3A_143 = arith.constant 0 : i32
    %dma_start3A_144 = tpu.memref_slice %arg4[%add3A_140, %dma_start3A_143] : memref<425984x128xf32, #tpu.memory_space<hbm>> -> memref<128x128xf32, #tpu.memory_space<hbm>>
    tpu.enqueue_dma source(%arg10 : memref<128x128xf32, #tpu.memory_space<vmem>>) target(%dma_start3A_144 : memref<128x128xf32, #tpu.memory_space<hbm>>) target_semaphore(%arg22 : memref<!tpu.dma_semaphore, #tpu.memory_space<semaphore_mem>>)
    %dma_wait3A_145 = arith.constant 0 : i32
    %dma_wait3A_146 = tpu.memref_slice %arg4[%mul3A_2, %dma_wait3A_145] : memref<425984x128xf32, #tpu.memory_space<hbm>> -> memref<128x128xf32, #tpu.memory_space<hbm>>
    %dma_wait3A_147 = arith.constant 0 : i32
    %dma_wait3A_148 = tpu.memref_slice %arg4[%mul3A_2, %dma_wait3A_147] : memref<425984x128xf32, #tpu.memory_space<hbm>> -> memref<128x128xf32, #tpu.memory_space<hbm>>
    tpu.wait_dma2 semaphore(%arg22 : memref<!tpu.dma_semaphore, #tpu.memory_space<semaphore_mem>>) src(%arg10 : memref<128x128xf32, #tpu.memory_space<vmem>>) dst(%dma_wait3A_148 : memref<128x128xf32, #tpu.memory_space<hbm>>)
    %dma_wait3A_149 = arith.constant 0 : i32
    %dma_wait3A_150 = arith.constant 0 : i32
    %dma_wait3A_151 = tpu.memref_slice %arg5[%dma_wait3A_149, %dma_wait3A_150] : memref<104x128xi32, #tpu.memory_space<vmem>> -> memref<1x128xi32, #tpu.memory_space<vmem>>
    %dma_wait3A_152 = tpu.memref_squeeze %dma_wait3A_151 : memref<1x128xi32, #tpu.memory_space<vmem>> -> memref<128xi32, #tpu.memory_space<vmem>>
    %dma_wait3A_153 = arith.constant 0 : i32
    %dma_wait3A_154 = arith.constant 0 : i32
    %dma_wait3A_155 = tpu.memref_slice %arg2[%dma_wait3A_153, %dma_wait3A_154] : memref<100000x128xf32, #tpu.memory_space<hbm>> -> memref<100000x128xf32, #tpu.memory_space<hbm>>
    tpu.wait_indirect_dma semaphore(%arg17 : memref<!tpu.dma_semaphore, #tpu.memory_space<semaphore_mem>>) src(%dma_wait3A_155 : memref<100000x128xf32, #tpu.memory_space<hbm>>) dst(%arg11 : memref<128x128xf32, #tpu.memory_space<vmem>>)
    %add3A_156 = arith.constant 12928 : i32
    %add3A_157 = arith.addi %mul3A_2, %add3A_156 : i32
    %dma_start3A_158 = arith.constant 0 : i32
    %dma_start3A_159 = tpu.memref_slice %arg4[%add3A_157, %dma_start3A_158] : memref<425984x128xf32, #tpu.memory_space<hbm>> -> memref<128x128xf32, #tpu.memory_space<hbm>>
    %dma_start3A_160 = arith.constant 0 : i32
    %dma_start3A_161 = tpu.memref_slice %arg4[%add3A_157, %dma_start3A_160] : memref<425984x128xf32, #tpu.memory_space<hbm>> -> memref<128x128xf32, #tpu.memory_space<hbm>>
    tpu.enqueue_dma source(%arg11 : memref<128x128xf32, #tpu.memory_space<vmem>>) target(%dma_start3A_161 : memref<128x128xf32, #tpu.memory_space<hbm>>) target_semaphore(%arg23 : memref<!tpu.dma_semaphore, #tpu.memory_space<semaphore_mem>>)
    %dma_wait3A_162 = arith.constant 0 : i32
    %dma_wait3A_163 = tpu.memref_slice %arg4[%mul3A_2, %dma_wait3A_162] : memref<425984x128xf32, #tpu.memory_space<hbm>> -> memref<128x128xf32, #tpu.memory_space<hbm>>
    %dma_wait3A_164 = arith.constant 0 : i32
    %dma_wait3A_165 = tpu.memref_slice %arg4[%mul3A_2, %dma_wait3A_164] : memref<425984x128xf32, #tpu.memory_space<hbm>> -> memref<128x128xf32, #tpu.memory_space<hbm>>
    tpu.wait_dma2 semaphore(%arg23 : memref<!tpu.dma_semaphore, #tpu.memory_space<semaphore_mem>>) src(%arg11 : memref<128x128xf32, #tpu.memory_space<vmem>>) dst(%dma_wait3A_165 : memref<128x128xf32, #tpu.memory_space<hbm>>)
    %dma_wait3A_166 = arith.constant 0 : i32
    %dma_wait3A_167 = arith.constant 0 : i32
    %dma_wait3A_168 = tpu.memref_slice %arg5[%dma_wait3A_166, %dma_wait3A_167] : memref<104x128xi32, #tpu.memory_space<vmem>> -> memref<1x128xi32, #tpu.memory_space<vmem>>
    %dma_wait3A_169 = tpu.memref_squeeze %dma_wait3A_168 : memref<1x128xi32, #tpu.memory_space<vmem>> -> memref<128xi32, #tpu.memory_space<vmem>>
    %dma_wait3A_170 = arith.constant 0 : i32
    %dma_wait3A_171 = arith.constant 0 : i32
    %dma_wait3A_172 = tpu.memref_slice %arg2[%dma_wait3A_170, %dma_wait3A_171] : memref<100000x128xf32, #tpu.memory_space<hbm>> -> memref<100000x128xf32, #tpu.memory_space<hbm>>
    tpu.wait_indirect_dma semaphore(%arg12 : memref<!tpu.dma_semaphore, #tpu.memory_space<semaphore_mem>>) src(%dma_wait3A_172 : memref<100000x128xf32, #tpu.memory_space<hbm>>) dst(%arg6 : memref<128x128xf32, #tpu.memory_space<vmem>>)
    %add3A_173 = arith.constant 13056 : i32
    %add3A_174 = arith.addi %mul3A_2, %add3A_173 : i32
    %dma_start3A_175 = arith.constant 0 : i32
    %dma_start3A_176 = tpu.memref_slice %arg4[%add3A_174, %dma_start3A_175] : memref<425984x128xf32, #tpu.memory_space<hbm>> -> memref<128x128xf32, #tpu.memory_space<hbm>>
    %dma_start3A_177 = arith.constant 0 : i32
    %dma_start3A_178 = tpu.memref_slice %arg4[%add3A_174, %dma_start3A_177] : memref<425984x128xf32, #tpu.memory_space<hbm>> -> memref<128x128xf32, #tpu.memory_space<hbm>>
    tpu.enqueue_dma source(%arg6 : memref<128x128xf32, #tpu.memory_space<vmem>>) target(%dma_start3A_178 : memref<128x128xf32, #tpu.memory_space<hbm>>) target_semaphore(%arg18 : memref<!tpu.dma_semaphore, #tpu.memory_space<semaphore_mem>>)
    %dma_wait3A_179 = arith.constant 0 : i32
    %dma_wait3A_180 = tpu.memref_slice %arg4[%mul3A_2, %dma_wait3A_179] : memref<425984x128xf32, #tpu.memory_space<hbm>> -> memref<128x128xf32, #tpu.memory_space<hbm>>
    %dma_wait3A_181 = arith.constant 0 : i32
    %dma_wait3A_182 = tpu.memref_slice %arg4[%mul3A_2, %dma_wait3A_181] : memref<425984x128xf32, #tpu.memory_space<hbm>> -> memref<128x128xf32, #tpu.memory_space<hbm>>
    tpu.wait_dma2 semaphore(%arg18 : memref<!tpu.dma_semaphore, #tpu.memory_space<semaphore_mem>>) src(%arg6 : memref<128x128xf32, #tpu.memory_space<vmem>>) dst(%dma_wait3A_182 : memref<128x128xf32, #tpu.memory_space<hbm>>)
    %dma_wait3A_183 = arith.constant 0 : i32
    %dma_wait3A_184 = arith.constant 0 : i32
    %dma_wait3A_185 = tpu.memref_slice %arg5[%dma_wait3A_183, %dma_wait3A_184] : memref<104x128xi32, #tpu.memory_space<vmem>> -> memref<1x128xi32, #tpu.memory_space<vmem>>
    %dma_wait3A_186 = tpu.memref_squeeze %dma_wait3A_185 : memref<1x128xi32, #tpu.memory_space<vmem>> -> memref<128xi32, #tpu.memory_space<vmem>>
    %dma_wait3A_187 = arith.constant 0 : i32
    %dma_wait3A_188 = arith.constant 0 : i32
    %dma_wait3A_189 = tpu.memref_slice %arg2[%dma_wait3A_187, %dma_wait3A_188] : memref<100000x128xf32, #tpu.memory_space<hbm>> -> memref<100000x128xf32, #tpu.memory_space<hbm>>
    tpu.wait_indirect_dma semaphore(%arg13 : memref<!tpu.dma_semaphore, #tpu.memory_space<semaphore_mem>>) src(%dma_wait3A_189 : memref<100000x128xf32, #tpu.memory_space<hbm>>) dst(%arg7 : memref<128x128xf32, #tpu.memory_space<vmem>>)
    %add3A_190 = arith.constant 13184 : i32
    %add3A_191 = arith.addi %mul3A_2, %add3A_190 : i32
    %dma_start3A_192 = arith.constant 0 : i32
    %dma_start3A_193 = tpu.memref_slice %arg4[%add3A_191, %dma_start3A_192] : memref<425984x128xf32, #tpu.memory_space<hbm>> -> memref<128x128xf32, #tpu.memory_space<hbm>>
    %dma_start3A_194 = arith.constant 0 : i32
    %dma_start3A_195 = tpu.memref_slice %arg4[%add3A_191, %dma_start3A_194] : memref<425984x128xf32, #tpu.memory_space<hbm>> -> memref<128x128xf32, #tpu.memory_space<hbm>>
    tpu.enqueue_dma source(%arg7 : memref<128x128xf32, #tpu.memory_space<vmem>>) target(%dma_start3A_195 : memref<128x128xf32, #tpu.memory_space<hbm>>) target_semaphore(%arg19 : memref<!tpu.dma_semaphore, #tpu.memory_space<semaphore_mem>>)
    %dma_wait3A_196 = arith.constant 0 : i32
    %dma_wait3A_197 = tpu.memref_slice %arg4[%mul3A_2, %dma_wait3A_196] : memref<425984x128xf32, #tpu.memory_space<hbm>> -> memref<128x128xf32, #tpu.memory_space<hbm>>
    %dma_wait3A_198 = arith.constant 0 : i32
    %dma_wait3A_199 = tpu.memref_slice %arg4[%mul3A_2, %dma_wait3A_198] : memref<425984x128xf32, #tpu.memory_space<hbm>> -> memref<128x128xf32, #tpu.memory_space<hbm>>
    tpu.wait_dma2 semaphore(%arg19 : memref<!tpu.dma_semaphore, #tpu.memory_space<semaphore_mem>>) src(%arg7 : memref<128x128xf32, #tpu.memory_space<vmem>>) dst(%dma_wait3A_199 : memref<128x128xf32, #tpu.memory_space<hbm>>)
    return
  }
}

</mosaic_0001>

<sc_bundles>
// kernel: kernel.3.cloned.1.call-start
scs
__scs_entry_jumppad:
0x0: {  	(pc) =	sbr.rel $0x88, $3  }
0x1: {  	(tag) =	ssettag $0x0;
	lr =	simm.s32 $0x1  }
0x2: {  	[smem:$0x3F9F] =	sst lr;
	_ =	strace $0xD0000000  }
0x3: {  	_ = 	snop  }
0x4: {  	_ = 	snop  }
0x5: {  	_ = 	snop  }
0x6: {  	_ = 	snop  }
0x7: {  	_ = 	snop  }
__scs_overlays_trampoline_lowered:
0x8: {  	[smem:$0x3FAE] =	sst s0  }
0x9: {  	[smem:$0x3FAF] =	sst s1  }
0xa: {  	[smem:$0x3FB0] =	sst s2  }
0xb: {  	[smem:$0x3FB1] =	sst s3  }
0xc: {  	[smem:$0x3FB2] =	sst s4  }
0xd: {  	[smem:$0x3FB3] =	sst s5  }
0xe: {  	[smem:$0x3FB4] =	sst s6  }
0xf: {  	[smem:$0x3FB5] =	sst s7  }
0x10: {  	[smem:$0x3FB6] =	sst s8  }
0x11: {  	[smem:$0x3FB7] =	sst s9;
	s0 =	simm.s32 @!p0 $0x0  }
0x12: {  	s1 =	sld [smem:$0x3F9D];
	s0 =	simm.s32 @p0 $0x1  }
0x13: {  	[smem:$0x3FB8] =	sst s0;
	s0 =	simm.s32 @!p1 $0x0  }
0x14: {  	s2 =	sld [smem:$0x3F9C];
	s0 =	simm.s32 @p1 $0x1  }
0x15: {  	[smem:$0x3FB9] =	sst s0;
	s0 =	simm.s32 @!p2 $0x0  }
0x16: {  	s3 =	sld [smem:$0x3FDB];
	s0 =	simm.s32 @p2 $0x1  }
0x17: {  	s4 =	simm.s32 $0x1BF5;
	[smem:$0x3FBB] =	sst s0  }
0x18: {  	s0 =	sld [smem:$0x3F9E];
	_ =	swait.ge [sflag:s4], $0x0  }
0x19: {  	s7 =	sld [smem:$0x3F9F]  }
0x1a: {  	s8 =	sadd.s32 $0xFFFFE003, lr  }
0x1b: {  	s9 =	sadd.s32 $0xFFFFFEF7, lr;
	s5 =	simm.s32 $0xFFFFFFFF;
	p2 =	slt.u32 s8, $0xFFFFF086  }
0x1c: {  	p1 =	slt.u32 s9, $0xF7A;
	s5 =	simm.s32 @!p2 $0x0  }
0x1d: {  	s5 =	simm.s32 @p1 $0x1;
	p0 =	seq.s32 s7, s2  }
0x1e: {  	s7 =	smul.u32 @!p0 $0xF7A, s2;
	p2 =	seq.s32 @!p0 s5, $0x0  }
0x1f: {  	s9 =	smul.u32 $0xF7A, s1;
	s8 =	simm.s32 @!p0 $0x1BF5;
	p2 =	por !p2, p0  }
0x20: {  	[sflag:s8] =	ssyncset.s32 @!p0 $0xFFFFF086;
	s6 =	sadd.s32 @!p0 s3, s7;
	s7 =	simm.s32 @!p0 $0x108  }
0x21: {  	s3 =	sadd.s32 s3, s9;
	s6 =	sadd.s32 @!p0 $0x88, s6;
	s7 =	simm.s32 @p2 $0x1082  }
0x22: {  	[simem:s7], [sflag:s8] =	dma.local @!p0 [hbm:s6], $0xF7A  }
0x23: {  	s9 =	sor.u32 $0xD0000000, s2;
	s6 =	simm.s32 $0x108;
	_ =	swait.ge @!p0 [sflag:s8], $0x0  }
0x24: {  	s3 =	sadd.s32 $0x88, s3;
	s6 =	simm.s32 @!p1 $0x1082;
	[sflag:s4] =	ssyncset.s32 $0xFFFFF086  }
0x25: {  	[simem:s6], [sflag:s4] =	dma.local [hbm:s3], $0xF7A  }
0x26: {  	[smem:$0x3F9F] =	sst s1;
	(tag) =	ssettag s2;
	_ =	strace s9  }
0x27: {  	s1 =	sld [smem:$0x3FAF]  }
0x28: {  	s2 =	sld [smem:$0x3FB0]  }
0x29: {  	s4 =	sld [smem:$0x3FB2]  }
0x2a: {  	p0 =	seq.s32 s5, $0x0;
	s5 =	sld [smem:$0x3FB3]  }
0x2b: {  	s6 =	sld [smem:$0x3FB4]  }
0x2c: {  	s7 =	sld [smem:$0x3FB5]  }
0x2d: {  	s3 =	simm.s32 $0x108;
	s8 =	sld [smem:$0x3FB6]  }
0x2e: {  	s3 =	simm.s32 @!p0 $0x1082;
	s9 =	sld [smem:$0x3FB7]  }
0x2f: {  	lr =	sadd.s32 s0, s3;
	s0 =	sld [smem:$0x3FAE]  }
0x30: {  	s3 =	sld [smem:$0x3FB1]  }
0x31: {  	[smem:$0x3FBA] =	sst s10  }
0x32: {  	s10 =	sld [smem:$0x3FB8];
	_ =	sdelay $0x3  }
0x33: {  	p0 =	seq.s32 s10, $0x1;
	s10 =	sld [smem:$0x3FBA];
	_ =	sdelay $0x3  }
0x34: {  	[smem:$0x3FBA] =	sst s10  }
0x35: {  	s10 =	sld [smem:$0x3FB9];
	_ =	sdelay $0x3  }
0x36: {  	p1 =	seq.s32 s10, $0x1;
	s10 =	sld [smem:$0x3FBA];
	_ =	sdelay $0x3  }
0x37: {  	[smem:$0x3FBA] =	sst s10  }
0x38: {  	s10 =	sld [smem:$0x3FBB]  }
0x39: {  	_ = 	snop;
	(pc) =	sbr.ind lr, $3  }
0x3a: {  	_ = 	snop  }
0x3b: {  	_ = 	snop  }
0x3c: {  	p2 =	seq.s32 s10, $0x1;
	s10 =	sld [smem:$0x3FBA]  }
0x3d: {  	_ =	shalt  }
0x3e: {  	_ =	shalt  }
0x3f: {  	_ =	shalt  }
0x40: {  	_ =	shalt  }
0x41: {  	_ =	shalt  }
0x42: {  	_ =	shalt  }
0x43: {  	_ =	shalt  }
0x44: {  	_ =	shalt  }
0x45: {  	_ =	shalt  }
0x46: {  	_ =	shalt  }
0x47: {  	_ =	shalt  }
0x48: {  	_ =	shalt  }
0x49: {  	_ =	shalt  }
0x4a: {  	_ =	shalt  }
0x4b: {  	_ =	shalt  }
0x4c: {  	_ =	shalt  }
0x4d: {  	_ =	shalt  }
0x4e: {  	_ =	shalt  }
0x4f: {  	_ =	shalt  }
0x50: {  	_ =	shalt  }
0x51: {  	_ =	shalt  }
0x52: {  	_ =	shalt  }
0x53: {  	_ =	shalt  }
0x54: {  	_ =	shalt  }
0x55: {  	_ =	shalt  }
0x56: {  	_ =	shalt  }
0x57: {  	_ =	shalt  }
0x58: {  	_ =	shalt  }
0x59: {  	_ =	shalt  }
0x5a: {  	_ =	shalt  }
0x5b: {  	_ =	shalt  }
0x5c: {  	_ =	shalt  }
0x5d: {  	_ =	shalt  }
0x5e: {  	_ =	shalt  }
0x5f: {  	_ =	shalt  }
0x60: {  	_ =	shalt  }
0x61: {  	_ =	shalt  }
0x62: {  	_ =	shalt  }
0x63: {  	_ =	shalt  }
0x64: {  	_ =	shalt  }
0x65: {  	_ =	shalt  }
0x66: {  	_ =	shalt  }
0x67: {  	_ =	shalt  }
0x68: {  	_ =	shalt  }
0x69: {  	_ =	shalt  }
0x6a: {  	_ =	shalt  }
0x6b: {  	_ =	shalt  }
0x6c: {  	_ =	shalt  }
0x6d: {  	_ =	shalt  }
0x6e: {  	_ =	shalt  }
0x6f: {  	_ =	shalt  }
0x70: {  	_ =	shalt  }
0x71: {  	_ =	shalt  }
0x72: {  	_ =	shalt  }
0x73: {  	_ =	shalt  }
0x74: {  	_ =	shalt  }
0x75: {  	_ =	shalt  }
0x76: {  	_ =	shalt  }
0x77: {  	_ =	shalt  }
0x78: {  	_ =	shalt  }
0x79: {  	_ =	shalt  }
0x7a: {  	_ =	shalt  }
0x7b: {  	_ =	shalt  }
0x7c: {  	_ =	shalt  }
0x7d: {  	_ =	shalt  }
0x7e: {  	_ =	shalt  }
0x7f: {  	_ =	shalt  }
0x80: {  	_ =	shalt  }
0x81: {  	_ =	shalt  }
0x82: {  	_ =	shalt  }
0x83: {  	_ =	shalt  }
0x84: {  	_ =	shalt  }
0x85: {  	_ =	shalt  }
0x86: {  	_ =	shalt  }
0x87: {  	_ =	shalt  }
.Lfunc_end0:
.L_simem_size_0:
called_computation_lowered:
.L_overlay_start_0:
0x88: {  	s2 =	sld [smem:$0x3FD9]  }
0x89: {  	s3 =	sld [smem:$0x3FFE];
	_ =	sdelay $0x1  }
0x8a: {  	s1 =	srdreg.scid  }
0x8b: {  	s0 =	sand.u32 $0x1, s1  }
0x8c: {  	s17 =	sshll.u32 s0, $0xA;
	s2 =	sadd.s32 s3, s2  }
0x8d: {  	s2 =	sadd.s32 s2, s17  }
0x8e: {  	[smem:$0x3FC6] =	sst s2  }
0x8f: {  	_ = 	snop  }
0x90: {  	s2 =	sld [smem:$0x3FC8]  }
0x91: {  	s18 =	sld [smem:$0x3FD0];
	(tm) =	ssettm $0x1  }
0x92: {  	s4 =	sld [smem:$0x3FFB];
	_ =	sdelay $0x3  }
0x93: {  	_ =	strace s4  }
0x94: {  	s4 =	sld [smem:$0x3FFC];
	_ =	sdelay $0x3  }
0x95: {  	_ =	strace s4  }
0x96: {  	s4 =	sld [smem:$0x3FFD];
	_ =	sdelay $0x3  }
0x97: {  	_ =	strace s4  }
0x98: {  	_ =	strace $0x8FFFFFFF  }
0x99: {  	s19 =	sld [smem:$0x3FDB];
	_ =	sdelay $0x1  }
0x9a: {  	s5 =	simm.s32 $_scs_section_size  }
0x9b: {  	s6 =	simm.s32 $_size__tile_overlayer_lowered;
	s7 =	simm.s32 $_tile_overlayer_lowered  }
0x9c: {  	s22 =	simm.s32 $0x1BFF;
	s21 =	sshll.u32 s7, $0x1;
	s4 =	sadd.s32 s5, s19  }
0x9d: {  	s8 =	simm.s32 $0x0;
	s20 =	sshll.u32 s6, $0x1;
	s6 =	sadd.s32 s21, s4  }
0x9e: {  	[timem:s8], [sflag:s22] =	dma.local [hbm:s6], s20  }
0x9f: {  	_ =	swait.ge [sflag:s22], s20  }
0xa0: {  	s5 =	ssub.s32 $0x0, s20;
	[sflag:s22] =	ssyncset.done $0x0  }
0xa1: {  	[sflag:s22] =	ssyncadd.s32 s5;
	_ =	sdelay $0x1  }
0xa2: {  	s23 =	simm.s32 $0x1B8B  }
0xa3: {  	_ =	swait.ge [sflag:s23], $0x1  }
0xa4: {  	[sflag:s23] =	ssyncset.done $0x0  }
0xa5: {  	s25 =	simm.s32 $0x1B8E;
	s24 =	sld [smem:$0x3FFE];
	[sflag:s23] =	ssyncadd.s32 $0xFFFFFFFF  }
0xa6: {  	s26 =	simm.s32 $execute0_lowered;
	[smem:$0x3FD2] =	sst s25  }
0xa7: {  	s6 =	sshll.u32 s26, $0x1;
	_ =	strace $0x80000046;
	[dreg:$0x1] =	wrdreg $0xFFFFFFFF  }
0xa8: {  	s28 =	simm.s32 $_size_execute0_lowered;
	s4 =	sadd.s32 s4, s6;
	[dreg:$0x0] =	wrdreg $0x0  }
0xa9: {  	s6 =	sshll.u32 s28, $0x1;
	[dreg:$0x2] =	wrdreg s4  }
0xaa: {  	[dreg:$0x3] =	wrdreg s6  }
0xab: {  	[dreg:$0x4] =	wrdreg $0xC0  }
0xac: {  	_ =	task [dreg:s8], $0x5FFFF  }
0xad: {  	[dreg:$0x1] =	wrdreg $0xFFFFFFFF  }
0xae: {  	[dreg:$0x0] =	wrdreg $0x60  }
0xaf: {  	[dreg:$0x2] =	wrdreg s2  }
0xb0: {  	[dreg:$0x3] =	wrdreg s24  }
0xb1: {  	[dreg:$0x4] =	wrdreg s18  }
0xb2: {  	[dreg:$0x5] =	wrdreg $0x9  }
0xb3: {  	_ =	task.clear_ibuf [dreg:s8], $0x6FFFF;
	_ =	strace $0x90000046  }
0xb4: {  	s29 =	simm.s32 $0x9;
	_ =	strace $0x80000048  }
0xb5: {  	_ =	swait.ge [sflag:s29], $0x1  }
0xb6: {  	[sflag:s29] =	ssyncadd.s32 $0xFFFFFFFF  }
0xb7: {  	_ =	strace $0x90000048  }
0xb8: {  	_ =	sfence  }
0xb9: {  	s30 =	sld [smem:$0x0];
	_ =	sdelay $0x2  }
0xba: {  	s31 =	sshll.u32 s1, $0xD;
	s1 =	sshrl.u32 s1, $0x2  }
0xbb: {  	s3 =	sand.u32 $0x4000, s31;
	s1 =	sadd.s32 s1, s30  }
0xbc: {  	s0 =	sor.u32 s3, s0;
	s1 =	sshll.u32 s1, $0x11  }
0xbd: {  	s0 =	sor.u32 s1, s0  }
0xbe: {  	s0 =	sadd.s32 $0x8F2B, s0  }
0xbf: {  	[sflag:s0] =	ssyncadd.remote.s32 $0x1  }
0xc0: {  	_ =	sfence.sel $0xFFFF  }
0xc1: {  	[dreg:$0x0] =	wrdreg $0xFFFFFFFF;
	(pc) =	sbr.abs _section_cstart, $3  }
0xc2: {  	[dreg:$0x1] =	wrdreg $0xFFFFFFFF  }
0xc3: {  	_ =	task.clear_ibuf [dreg:s8], $0x2FFFF;
	_ =	strace $0x9FFFFFFF  }
0xc4: {  	(tm) =	ssettm $0x7FFFFFFF  }
0xc5: {  	_ =	shalt  }
tec
execute0_lowered:
.L_overlay_start_1:
0x0: {  	(tag) =	ssettag $0x1  }
0x1: {  	s1 =	rddreg [dreg:$0x0]  }
0x2: {  	s0 =	rddreg [dreg:$0x1];
	s2 =	srdreg.scid  }
0x3: {  	s9 =	stileid.u32;
	s4 =	rddreg [dreg:$0x2];
	s3 =	simm.s32 $0x0  }
0x4: {  	s15 =	simm.s32 $0xD;
	s16 =	simm.s32 $0x80;
	s17 =	simm.s32 $0x3400  }
0x5: {  	s18 =	simm.s32 $0x7400;
	s2 =	sand.u32 $0x1, s2;
	s5 =	sshll.u32 s9, $0x1  }
0x6: {  	s28 =	simm.s32 $0x1;
	s21 =	smul.u32 $0x68000, s9;
	s5 =	sor.u32 s2, s5  }
0x7: {  	s29 =	simm.s32 $0x7;
	s30 =	simm.s32 $0x2;
	s6 =	smul.u32 $0x680, s5  }
0x8: {  	s31 =	simm.s32 $0x8;
	[smem:$0x7FF] =	sst s3;
	s8 =	smul.u32 $0x1A0000, s5  }
0x9: {  	_ =	strace $0x80000047;
	s7 =	ssub.s32 $0x2, s2;
	s5 =	smul.u32 $0x34000, s5  }
0xa: {  	s2 =	smul.u32 $0x34000, s2;
	s19 =	sshrl.u32 s7, $0x1;
	s0 =	sadd.s32 s6, s0  }
0xb: {  	s6 =	ssub.s32 s7, s19;
	s20 =	sshrl.u32 s8, $0x3;
	s5 =	sadd.s32 s4, s5  }
0xc: {  	s19 =	simm.s32 $0x4;
	s0 =	sadd.s32 $0x400, s0;
	[dreg:$0x5] =	wrdreg s5  }
0xd: {  	s13 =	smax.u32 s6, $0x1;
	s5 =	simm.s32 $0xC;
	s6 =	simm.s32 $0x0  }
0xe: {  	[dreg:$0x4] =	wrdreg s0;
	s0 =	sadd.s32 s4, s20;
	s4 =	sadd.s32 s21, s4  }
0xf: {  	s20 =	simm.s32 $0xB400;
	s21 =	simm.s32 $0xA;
	s22 =	sadd.s32 $0x30800, s0  }
0x10: {  	s23 =	sadd.s32 $0x31000, s0;
	s24 =	sadd.s32 $0x31800, s0;
	[dreg:$0x6] =	wrdreg s22  }
0x11: {  	s25 =	sadd.s32 $0x32000, s0;
	s26 =	sadd.s32 $0x32800, s0;
	[dreg:$0x7] =	wrdreg s23  }
0x12: {  	s11 =	sadd.s32 $0x33000, s0;
	s2 =	sadd.s32 s2, s4;
	[dreg:$0x8] =	wrdreg s24  }
0x13: {  	s12 =	sadd.s32 $0x33800, s0;
	s0 =	simm.s32 $0x9;
	[dreg:$0x9] =	wrdreg s25  }
0x14: {  	s4 =	simm.s32 $0x6;
	[dreg:$0xa] =	wrdreg s26;
	s14 =	sadd.s32 $0x1800, s2  }
0x15: {  	s22 =	simm.s32 $0xF400;
	s24 =	simm.s32 $0x13400;
	s26 =	simm.s32 $0x17400  }
0x16: {  	s2 =	simm.s32 $0x3;
	s23 =	simm.s32 $0x5;
	s25 =	simm.s32 $0xB  }
.LBB2_1:
0x17: {  	s7 =	rddreg [dreg:$0x4]  }
0x18: {  	[tilespmem:s3], [sflag:$0xD] =	stream.linear.gather [hbm4b:s7+s3], $0x3400, $0x38;
	[tilespmem:$0x1B400] =	vst v63  }
0x19: {  	_ =	swait.ge [sflag:s15], $0x3400  }
0x1a: {  	[sflag:s15] =	ssyncset.done $0x0  }
0x1b: {  	[sflag:s15] =	ssyncadd.s32 $0xFFFFCC00  }
0x1c: {  	[tilespmem:s17], [sflag:$0x1] =	stream.indirect.gather [hbm4b:s1+s16], $0x80, s3, s16, $0xb8;
	[tilespmem:$0x1B400] =	vst v63  }
0x1d: {  	_ = 	snop  }
0x1e: {  	[tilespmem:s18], [sflag:$0x2] =	stream.indirect.gather [hbm4b:s1+s16], $0x80, s16, s16, $0xb8;
	[tilespmem:$0x1B400] =	vst v63  }
0x1f: {  	s8 =	simm.s32 $0x100  }
0x20: {  	[tilespmem:s20], [sflag:$0x3] =	stream.indirect.gather [hbm4b:s1+s16], $0x80, s8, s16, $0xb8;
	[tilespmem:$0x1B400] =	vst v63  }
0x21: {  	s9 =	simm.s32 $0x180  }
0x22: {  	[tilespmem:s22], [sflag:$0x4] =	stream.indirect.gather [hbm4b:s1+s16], $0x80, s9, s16, $0xb8;
	[tilespmem:$0x1B400] =	vst v63  }
0x23: {  	s10 =	simm.s32 $0x200  }
0x24: {  	[tilespmem:s24], [sflag:$0x5] =	stream.indirect.gather [hbm4b:s1+s16], $0x80, s10, s16, $0xb8;
	[tilespmem:$0x1B400] =	vst v63  }
0x25: {  	s8 =	simm.s32 $0x280  }
0x26: {  	[tilespmem:s26], [sflag:$0x6] =	stream.indirect.gather [hbm4b:s1+s16], $0x80, s8, s16, $0xb8;
	[tilespmem:$0x1B400] =	vst v63  }
0x27: {  	_ =	swait.ge [sflag:s28], $0x4000  }
0x28: {  	[sflag:s28] =	ssyncset.done $0x0  }
0x29: {  	s9 =	rddreg [dreg:$0x5];
	[sflag:s28] =	ssyncadd.s32 $0xFFFFC000  }
0x2a: {  	[hbm4b:s9+s3] =	stream.linear.scatter [tilespmem:s17], [sflag:$0x7], $0x4000, $0x38;
	[tilespmem:$0x1B400] =	vst v63  }
0x2b: {  	_ =	swait.ge [sflag:s29], $0x4000  }
0x2c: {  	[sflag:s29] =	ssyncset.done $0x0  }
0x2d: {  	s10 =	simm.s32 $0x300;
	[sflag:s29] =	ssyncadd.s32 $0xFFFFC000  }
0x2e: {  	[tilespmem:s17], [sflag:$0x1] =	stream.indirect.gather [hbm4b:s1+s16], $0x80, s10, s16, $0xb8;
	[tilespmem:$0x1B400] =	vst v63  }
0x2f: {  	_ =	swait.ge [sflag:s30], $0x4000  }
0x30: {  	[sflag:s30] =	ssyncset.done $0x0  }
0x31: {  	s8 =	sadd.s32 $0xFFFFF000, s14;
	[sflag:s30] =	ssyncadd.s32 $0xFFFFC000  }
0x32: {  	[hbm4b:s8+s3] =	stream.linear.scatter [tilespmem:s18], [sflag:$0x8], $0x4000, $0x38;
	[tilespmem:$0x1B400] =	vst v63  }
0x33: {  	_ =	swait.ge [sflag:s31], $0x4000  }
0x34: {  	[sflag:s31] =	ssyncset.done $0x0  }
0x35: {  	s9 =	simm.s32 $0x380;
	[sflag:s31] =	ssyncadd.s32 $0xFFFFC000  }
0x36: {  	[tilespmem:s18], [sflag:$0x2] =	stream.indirect.gather [hbm4b:s1+s16], $0x80, s9, s16, $0xb8;
	[tilespmem:$0x1B400] =	vst v63  }
0x37: {  	_ =	swait.ge [sflag:s2], $0x4000  }
0x38: {  	[sflag:s2] =	ssyncset.done $0x0  }
0x39: {  	s10 =	sadd.s32 $0xFFFFF800, s14;
	[sflag:s2] =	ssyncadd.s32 $0xFFFFC000  }
0x3a: {  	[hbm4b:s10+s3] =	stream.linear.scatter [tilespmem:s20], [sflag:$0x9], $0x4000, $0x38;
	[tilespmem:$0x1B400] =	vst v63  }
0x3b: {  	_ =	swait.ge [sflag:s0], $0x4000  }
0x3c: {  	[sflag:s0] =	ssyncset.done $0x0  }
0x3d: {  	s8 =	simm.s32 $0x400;
	[sflag:s0] =	ssyncadd.s32 $0xFFFFC000  }
0x3e: {  	[tilespmem:s20], [sflag:$0x3] =	stream.indirect.gather [hbm4b:s1+s16], $0x80, s8, s16, $0xb8;
	[tilespmem:$0x1B400] =	vst v63  }
0x3f: {  	_ =	swait.ge [sflag:s19], $0x4000  }
0x40: {  	[sflag:s19] =	ssyncset.done $0x0  }
0x41: {  	[sflag:s19] =	ssyncadd.s32 $0xFFFFC000  }
0x42: {  	[hbm4b:s14+s3] =	stream.linear.scatter [tilespmem:s22], [sflag:$0xA], $0x4000, $0x38;
	[tilespmem:$0x1B400] =	vst v63  }
0x43: {  	_ =	swait.ge [sflag:s21], $0x4000  }
0x44: {  	[sflag:s21] =	ssyncset.done $0x0  }
0x45: {  	s9 =	simm.s32 $0x480;
	[sflag:s21] =	ssyncadd.s32 $0xFFFFC000  }
0x46: {  	[tilespmem:s22], [sflag:$0x4] =	stream.indirect.gather [hbm4b:s1+s16], $0x80, s9, s16, $0xb8;
	[tilespmem:$0x1B400] =	vst v63  }
0x47: {  	_ =	swait.ge [sflag:s23], $0x4000  }
0x48: {  	[sflag:s23] =	ssyncset.done $0x0  }
0x49: {  	s10 =	sadd.s32 $0x800, s14;
	[sflag:s23] =	ssyncadd.s32 $0xFFFFC000  }
0x4a: {  	[hbm4b:s10+s3] =	stream.linear.scatter [tilespmem:s24], [sflag:$0xB], $0x4000, $0x38;
	[tilespmem:$0x1B400] =	vst v63  }
0x4b: {  	_ =	swait.ge [sflag:s25], $0x4000  }
0x4c: {  	[sflag:s25] =	ssyncset.done $0x0  }
0x4d: {  	s8 =	simm.s32 $0x500;
	[sflag:s25] =	ssyncadd.s32 $0xFFFFC000  }
0x4e: {  	[tilespmem:s24], [sflag:$0x5] =	stream.indirect.gather [hbm4b:s1+s16], $0x80, s8, s16, $0xb8;
	[tilespmem:$0x1B400] =	vst v63  }
0x4f: {  	_ =	swait.ge [sflag:s4], $0x4000  }
0x50: {  	[sflag:s4] =	ssyncset.done $0x0  }
0x51: {  	s9 =	sadd.s32 $0x1000, s14;
	[sflag:s4] =	ssyncadd.s32 $0xFFFFC000  }
0x52: {  	[hbm4b:s9+s3] =	stream.linear.scatter [tilespmem:s26], [sflag:$0xC], $0x4000, $0x38;
	[tilespmem:$0x1B400] =	vst v63  }
0x53: {  	_ =	swait.ge [sflag:s5], $0x4000  }
0x54: {  	[sflag:s5] =	ssyncset.done $0x0  }
0x55: {  	s10 =	simm.s32 $0x580;
	[sflag:s5] =	ssyncadd.s32 $0xFFFFC000  }
0x56: {  	[tilespmem:s26], [sflag:$0x6] =	stream.indirect.gather [hbm4b:s1+s16], $0x80, s10, s16, $0xb8;
	[tilespmem:$0x1B400] =	vst v63  }
0x57: {  	_ =	swait.ge [sflag:s28], $0x4000  }
0x58: {  	s7 =	simm.s32 $0xC00;
	[sflag:s28] =	ssyncset.done $0x0  }
0x59: {  	s8 =	sadd.s32 $0x3000, s14;
	s9 =	sadd.s32 $0x1800, s14;
	[sflag:s28] =	ssyncadd.s32 $0xFFFFC000  }
.LBB2_2:
0x5a: {  	[hbm4b:s9+s3] =	stream.linear.scatter [tilespmem:s17], [sflag:$0x7], $0x4000, $0x38;
	[tilespmem:$0x1B400] =	vst v63  }
0x5b: {  	s9 =	smov.u32 s7  }
0x5c: {  	p0 =	sne.s32 s7, $0xB400;
	s7 =	sadd.s32 $0xC00, s7;
	_ =	swait.ge [sflag:s29], $0x4000  }
0x5d: {  	s9 =	sshra.s32 s9, $0x2;
	[sflag:s29] =	ssyncset.done $0x0  }
0x5e: {  	s10 =	sadd.s32 $0x300, s9;
	[sflag:s29] =	ssyncadd.s32 $0xFFFFC000  }
0x5f: {  	[tilespmem:s17], [sflag:$0x1] =	stream.indirect.gather [hbm4b:s1+s16], $0x80, s10, s16, $0xb8;
	[tilespmem:$0x1B400] =	vst v63  }
0x60: {  	_ =	swait.ge [sflag:s30], $0x4000  }
0x61: {  	[sflag:s30] =	ssyncset.done $0x0  }
0x62: {  	s10 =	sadd.s32 $0xFFFFF000, s8;
	[sflag:s30] =	ssyncadd.s32 $0xFFFFC000  }
0x63: {  	[hbm4b:s10+s3] =	stream.linear.scatter [tilespmem:s18], [sflag:$0x8], $0x4000, $0x38;
	[tilespmem:$0x1B400] =	vst v63  }
0x64: {  	_ =	swait.ge [sflag:s31], $0x4000  }
0x65: {  	[sflag:s31] =	ssyncset.done $0x0  }
0x66: {  	s10 =	sadd.s32 $0x380, s9;
	[sflag:s31] =	ssyncadd.s32 $0xFFFFC000  }
0x67: {  	[tilespmem:s18], [sflag:$0x2] =	stream.indirect.gather [hbm4b:s1+s16], $0x80, s10, s16, $0xb8;
	[tilespmem:$0x1B400] =	vst v63  }
0x68: {  	_ =	swait.ge [sflag:s2], $0x4000  }
0x69: {  	[sflag:s2] =	ssyncset.done $0x0  }
0x6a: {  	s10 =	sadd.s32 $0xFFFFF800, s8;
	[sflag:s2] =	ssyncadd.s32 $0xFFFFC000  }
0x6b: {  	[hbm4b:s10+s3] =	stream.linear.scatter [tilespmem:s20], [sflag:$0x9], $0x4000, $0x38;
	[tilespmem:$0x1B400] =	vst v63  }
0x6c: {  	_ =	swait.ge [sflag:s0], $0x4000  }
0x6d: {  	[sflag:s0] =	ssyncset.done $0x0  }
0x6e: {  	s10 =	sadd.s32 $0x400, s9;
	[sflag:s0] =	ssyncadd.s32 $0xFFFFC000  }
0x6f: {  	[tilespmem:s20], [sflag:$0x3] =	stream.indirect.gather [hbm4b:s1+s16], $0x80, s10, s16, $0xb8;
	[tilespmem:$0x1B400] =	vst v63  }
0x70: {  	_ =	swait.ge [sflag:s19], $0x4000  }
0x71: {  	[sflag:s19] =	ssyncset.done $0x0  }
0x72: {  	[sflag:s19] =	ssyncadd.s32 $0xFFFFC000  }
0x73: {  	[hbm4b:s8+s3] =	stream.linear.scatter [tilespmem:s22], [sflag:$0xA], $0x4000, $0x38;
	[tilespmem:$0x1B400] =	vst v63  }
0x74: {  	_ =	swait.ge [sflag:s21], $0x4000  }
0x75: {  	[sflag:s21] =	ssyncset.done $0x0  }
0x76: {  	s10 =	sadd.s32 $0x480, s9;
	[sflag:s21] =	ssyncadd.s32 $0xFFFFC000  }
0x77: {  	[tilespmem:s22], [sflag:$0x4] =	stream.indirect.gather [hbm4b:s1+s16], $0x80, s10, s16, $0xb8;
	[tilespmem:$0x1B400] =	vst v63  }
0x78: {  	_ =	swait.ge [sflag:s23], $0x4000  }
0x79: {  	[sflag:s23] =	ssyncset.done $0x0  }
0x7a: {  	s10 =	sadd.s32 $0x800, s8;
	[sflag:s23] =	ssyncadd.s32 $0xFFFFC000  }
0x7b: {  	[hbm4b:s10+s3] =	stream.linear.scatter [tilespmem:s24], [sflag:$0xB], $0x4000, $0x38;
	[tilespmem:$0x1B400] =	vst v63  }
0x7c: {  	_ =	swait.ge [sflag:s25], $0x4000  }
0x7d: {  	[sflag:s25] =	ssyncset.done $0x0  }
0x7e: {  	s10 =	sadd.s32 $0x500, s9;
	[sflag:s25] =	ssyncadd.s32 $0xFFFFC000  }
0x7f: {  	[tilespmem:s24], [sflag:$0x5] =	stream.indirect.gather [hbm4b:s1+s16], $0x80, s10, s16, $0xb8;
	[tilespmem:$0x1B400] =	vst v63  }
0x80: {  	_ =	swait.ge [sflag:s4], $0x4000  }
0x81: {  	[sflag:s4] =	ssyncset.done $0x0  }
0x82: {  	s10 =	sadd.s32 $0x1000, s8;
	[sflag:s4] =	ssyncadd.s32 $0xFFFFC000  }
0x83: {  	[hbm4b:s10+s3] =	stream.linear.scatter [tilespmem:s26], [sflag:$0xC], $0x4000, $0x38;
	[tilespmem:$0x1B400] =	vst v63  }
0x84: {  	_ =	swait.ge [sflag:s5], $0x4000  }
0x85: {  	[sflag:s5] =	ssyncset.done $0x0  }
.Ltmp0:
0x86: {  	s9 =	sadd.s32 $0x580, s9;
	[sflag:s5] =	ssyncadd.s32 $0xFFFFC000;
	(pc) =	sbr.rel @p0 .LBB2_2-.Ltmp0, $4  }
0x87: {  	[tilespmem:s26], [sflag:$0x6] =	stream.indirect.gather [hbm4b:s1+s16], $0x80, s9, s16, $0xb8;
	[tilespmem:$0x1B400] =	vst v63  }
0x88: {  	_ =	swait.ge [sflag:s28], $0x4000  }
0x89: {  	[sflag:s28] =	ssyncset.done $0x0  }
0x8a: {  	s9 =	sadd.s32 $0x1800, s8;
	s8 =	sadd.s32 $0x3000, s8;
	[sflag:s28] =	ssyncadd.s32 $0xFFFFC000  }
0x8b: {  	[hbm4b:s9+s3] =	stream.linear.scatter [tilespmem:s17], [sflag:$0x7], $0x4000, $0x38;
	[tilespmem:$0x1B400] =	vst v63  }
0x8c: {  	_ =	swait.ge [sflag:s29], $0x4000  }
0x8d: {  	[sflag:s29] =	ssyncset.done $0x0  }
0x8e: {  	s7 =	simm.s32 $0x3300;
	[sflag:s29] =	ssyncadd.s32 $0xFFFFC000  }
0x8f: {  	[tilespmem:s17], [sflag:$0x1] =	stream.indirect.gather [hbm4b:s1+s16], $0x80, s7, s16, $0xb8;
	[tilespmem:$0x1B400] =	vst v63  }
0x90: {  	_ =	swait.ge [sflag:s30], $0x4000  }
0x91: {  	[sflag:s30] =	ssyncset.done $0x0  }
0x92: {  	s8 =	rddreg [dreg:$0x6];
	[sflag:s30] =	ssyncadd.s32 $0xFFFFC000  }
0x93: {  	[hbm4b:s8+s3] =	stream.linear.scatter [tilespmem:s18], [sflag:$0x8], $0x4000, $0x38;
	[tilespmem:$0x1B400] =	vst v63  }
0x94: {  	_ =	swait.ge [sflag:s31], $0x4000  }
0x95: {  	[sflag:s31] =	ssyncset.done $0x0  }
0x96: {  	s9 =	simm.s32 $0x3380;
	[sflag:s31] =	ssyncadd.s32 $0xFFFFC000  }
0x97: {  	[tilespmem:s18], [sflag:$0x2] =	stream.indirect.gather [hbm4b:s1+s16], $0x80, s9, s16, $0xb8;
	[tilespmem:$0x1B400] =	vst v63  }
0x98: {  	_ =	swait.ge [sflag:s2], $0x4000  }
0x99: {  	[sflag:s2] =	ssyncset.done $0x0  }
0x9a: {  	s10 =	rddreg [dreg:$0x7];
	[sflag:s2] =	ssyncadd.s32 $0xFFFFC000  }
0x9b: {  	[hbm4b:s10+s3] =	stream.linear.scatter [tilespmem:s20], [sflag:$0x9], $0x4000, $0x38;
	[tilespmem:$0x1B400] =	vst v63  }
0x9c: {  	_ =	swait.ge [sflag:s0], $0x4000  }
0x9d: {  	[sflag:s0] =	ssyncset.done $0x0  }
0x9e: {  	[sflag:s0] =	ssyncadd.s32 $0xFFFFC000  }
0x9f: {  	_ =	swait.ge [sflag:s19], $0x4000  }
0xa0: {  	[sflag:s19] =	ssyncset.done $0x0  }
0xa1: {  	s8 =	rddreg [dreg:$0x8];
	[sflag:s19] =	ssyncadd.s32 $0xFFFFC000  }
0xa2: {  	[hbm4b:s8+s3] =	stream.linear.scatter [tilespmem:s22], [sflag:$0xA], $0x4000, $0x38;
	[tilespmem:$0x1B400] =	vst v63  }
0xa3: {  	_ =	swait.ge [sflag:s21], $0x4000  }
0xa4: {  	[sflag:s21] =	ssyncset.done $0x0  }
0xa5: {  	[sflag:s21] =	ssyncadd.s32 $0xFFFFC000  }
0xa6: {  	_ =	swait.ge [sflag:s23], $0x4000  }
0xa7: {  	[sflag:s23] =	ssyncset.done $0x0  }
0xa8: {  	s9 =	rddreg [dreg:$0x9];
	[sflag:s23] =	ssyncadd.s32 $0xFFFFC000  }
0xa9: {  	[hbm4b:s9+s3] =	stream.linear.scatter [tilespmem:s24], [sflag:$0xB], $0x4000, $0x38;
	[tilespmem:$0x1B400] =	vst v63  }
0xaa: {  	_ =	swait.ge [sflag:s25], $0x4000  }
0xab: {  	[sflag:s25] =	ssyncset.done $0x0  }
0xac: {  	[sflag:s25] =	ssyncadd.s32 $0xFFFFC000  }
0xad: {  	_ =	swait.ge [sflag:s4], $0x4000  }
0xae: {  	[sflag:s4] =	ssyncset.done $0x0  }
0xaf: {  	s10 =	rddreg [dreg:$0xa];
	[sflag:s4] =	ssyncadd.s32 $0xFFFFC000  }
0xb0: {  	[hbm4b:s10+s3] =	stream.linear.scatter [tilespmem:s26], [sflag:$0xC], $0x4000, $0x38;
	[tilespmem:$0x1B400] =	vst v63  }
0xb1: {  	_ =	swait.ge [sflag:s5], $0x4000  }
0xb2: {  	[sflag:s5] =	ssyncset.done $0x0  }
0xb3: {  	[sflag:s5] =	ssyncadd.s32 $0xFFFFC000  }
0xb4: {  	_ =	swait.ge [sflag:s28], $0x4000  }
0xb5: {  	[sflag:s28] =	ssyncset.done $0x0  }
0xb6: {  	[sflag:s28] =	ssyncadd.s32 $0xFFFFC000  }
0xb7: {  	[hbm4b:s11+s3] =	stream.linear.scatter [tilespmem:s17], [sflag:$0x7], $0x4000, $0x38;
	[tilespmem:$0x1B400] =	vst v63  }
0xb8: {  	_ =	swait.ge [sflag:s29], $0x4000  }
0xb9: {  	[sflag:s29] =	ssyncset.done $0x0  }
0xba: {  	[sflag:s29] =	ssyncadd.s32 $0xFFFFC000  }
0xbb: {  	s6 =	sadd.s32 $0x1, s6;
	_ =	swait.ge [sflag:s30], $0x4000  }
0xbc: {  	p0 =	sne.s32 s6, s13;
	[sflag:s30] =	ssyncset.done $0x0  }
.Ltmp1:
0xbd: {  	[sflag:s30] =	ssyncadd.s32 $0xFFFFC000;
	(pc) =	sbr.rel @p0 .LBB2_1-.Ltmp1, $4  }
0xbe: {  	[hbm4b:s12+s3] =	stream.linear.scatter [tilespmem:s18], [sflag:$0x8], $0x4000, $0x38;
	[tilespmem:$0x1B400] =	vst v63  }
0xbf: {  	_ =	swait.ge [sflag:s31], $0x4000  }
0xc0: {  	[sflag:s31] =	ssyncset.done $0x0  }
0xc1: {  	[sflag:s31] =	ssyncadd.s32 $0xFFFFC000  }
0xc2: {  	_ =	sfence.sel $0x180000  }
0xc3: {  	[bflag:$0x0] =	sbarrier.arrive $0xFFFF  }
0xc4: {  	_ =	strace $0x90000047  }
0xc5: {  	s0 =	stileid.u32;
	[bflag:$0x2] =	sbarrier.arrive $0xFFFF  }
0xc6: {  	p0 =	sne.s32 s0, $0x0;
	s0 =	rddreg [dreg:$0x3]  }
0xc7: {  	s0 =	sadd.s32 @!p0 $0x100000, s0  }
0xc8: {  	[sflag:s0] =	ssyncadd.tile.s32 @!p0 $0x1;
	_ =	shalt  }
.Lfunc_end2:
_tile_overlayer_lowered:
.L_overlay_start_2:
0xc9: {  	(tag) =	ssettag $0x2  }
0xca: {  	s0 =	rddreg [dreg:$0x0];
	s2 =	stileid.u32  }
0xcb: {  	s1 =	rddreg [dreg:$0x1];
	p0 =	sne.s32 s2, $0x0  }
0xcc: {  	s3 =	rddreg [dreg:$0x2];
	[bflag:$0x3] =	sbarrier.arrive $0xFFFF;
	s2 =	simm.s32 @!p0 $0x1C0D  }
0xcd: {  	[timem:s3], [sflag:s2] =	dma.local @!p0 [hbm:s0], s1  }
0xce: {  	s0 =	simm.s32 @!p0 $0xD  }
0xcf: {  	_ =	swait.ge @!p0 [sflag:s0], s1  }
0xd0: {  	s1 =	ssub.s32 @!p0 $0x0, s1;
	[sflag:s0] =	ssyncset.done @!p0 $0x0  }
0xd1: {  	[sflag:s0] =	ssyncadd.s32 @!p0 s1  }
0xd2: {  	[bflag:$0x3] =	sbarrier.arrive $0xFFFF  }
0xd3: {  	_ =	shalt  }

</sc_bundles>
